<compile_context>
chip_gen: v7x
topology: tpu7x:2x2x1
jax: 0.10.2.dev20260603
libtpu: 0.0.44.dev20260713+nightly
codegen_flags: <defaults>
</compile_context>

<pallas_src>
import functools

import jax
import jax.numpy as jnp
from jax import lax
from jax.experimental import pallas as pl
from jax.experimental.pallas import tpu as pltpu
from jax.experimental.pallas import tpu_sc as plsc

_N = 10000
_C = 128
_E = 320000
_H = 8
_DH = 16
_NPAD = 10240
_EPS = 1e-5
_BM = 1000
_BQ = 512
_SCALE = 0.25 * 1.4426950408889634

_CH = 128
_NCHUNK = _E // _CH
_NTILES = 32
_PER = _NCHUNK // _NTILES
_REM = _NCHUNK - _PER * _NTILES



def _sc_scatter_kernel(h, edge_index, zeros_init):
    mesh = plsc.VectorSubcoreMesh(core_axis_name="c", subcore_axis_name="s")

    @functools.partial(
        pl.kernel,
        mesh=mesh,
        out_type=jax.ShapeDtypeStruct((2, _N, _C), jnp.float32),
        scratch_types=[
            pltpu.VMEM((_CH,), jnp.int32),
            pltpu.VMEM((_CH,), jnp.int32),
            pltpu.VMEM((_CH, _C), jnp.float32),
            pltpu.VMEM_SHARED((_N, _C), jnp.float32),
            pltpu.SemaphoreType.DMA,
        ],
    )
    def k(h_hbm, ei_hbm, z_hbm, out_hbm, src_v, dst_v, rows_v, acc, sem):
        c = lax.axis_index("c")
        s = lax.axis_index("s")
        w = s * 2 + c

        @pl.when(s == 0)
        def _():
            pltpu.sync_copy(z_hbm, acc)

        plsc.subcore_barrier()

        def chunk(ci):
            off = ci * _CH
            pltpu.sync_copy(ei_hbm.at[0, pl.ds(off, _CH)], src_v)
            pltpu.sync_copy(ei_hbm.at[1, pl.ds(off, _CH)], dst_v)
            pltpu.async_copy(h_hbm.at[src_v], rows_v, sem).wait()
            pltpu.sync_copy(rows_v, acc.at[dst_v], add=True)

        def body(i, carry):
            chunk(w * _PER + i)
            return carry

        lax.fori_loop(0, _PER, body, 0)

        @pl.when(w < _REM)
        def _():
            chunk(_NTILES * _PER + w)

        plsc.subcore_barrier()

        @pl.when(s == 0)
        def _():
            pltpu.sync_copy(acc, out_hbm.at[c])

    return k(h, edge_index, zeros_init)


def _scatter_partials(h, edge_index):
    zeros_init = jnp.zeros((_N, _C), jnp.float32)
    return _sc_scatter_kernel(h, edge_index, zeros_init)



def _k1_body(x_ref, wi, bi, wq, bq_, wk, bk_, wv, bv_, hm,
             h_ref, q_ref, k_ref, v_ref, kn_ref):
    i = pl.program_id(0)
    h = jnp.dot(x_ref[...], wi[...], preferred_element_type=jnp.float32) + bi[...]
    h_ref[...] = h
    q = (jnp.dot(h, wq[...], preferred_element_type=jnp.float32)
         + bq_[...]) * _SCALE
    q_ref[...] = q.astype(jnp.bfloat16)
    k = jnp.dot(h, wk[...], preferred_element_type=jnp.float32) + bk_[...]
    k_ref[...] = k.astype(jnp.bfloat16)
    v_ref[...] = (jnp.dot(h, wv[...], preferred_element_type=jnp.float32)
                  + bv_[...]).astype(jnp.bfloat16)
    nsq = jnp.dot(k * k, hm[...], preferred_element_type=jnp.float32)
    cur = jnp.max(nsq, axis=0, keepdims=True)

    @pl.when(i == 0)
    def _():
        kn_ref[...] = jnp.zeros_like(kn_ref)

    kn_ref[...] = jnp.maximum(kn_ref[...], cur)


def _k1(x, WiT, bi, WqT, bq, WkT, bk, WvT, bv, hm):
    row = pl.BlockSpec((_BM, _C), lambda i: (i, 0))
    full = pl.BlockSpec((_C, _C), lambda i: (0, 0))
    vec = pl.BlockSpec((1, _C), lambda i: (0, 0))
    out = jax.ShapeDtypeStruct((_N, _C), jnp.float32)
    outb = jax.ShapeDtypeStruct((_N, _C), jnp.bfloat16)
    st = jax.ShapeDtypeStruct((1, _C), jnp.float32)
    return pl.pallas_call(
        _k1_body,
        grid=(_N // _BM,),
        in_specs=[row, full, vec, full, vec, full, vec, full, vec, full],
        out_specs=[row, row, row, row, vec],
        out_shape=[out, outb, outb, outb, st],
    )(x, WiT, bi, WqT, bq, WkT, bk, WvT, bv, hm)



def _attn_body(qt_ref, kt_ref, vt_ref, kn_ref, ot_ref):
    qt = qt_ref[0]
    kt = kt_ref[0]
    vt = vt_ref[0]
    st = lax.dot_general(kt, qt, (((0,), (0,)), ((), ())),
                         preferred_element_type=jnp.float32)
    qf = qt.astype(jnp.float32)
    qq = jnp.sum(qf * qf, axis=0, keepdims=True)
    b = jnp.sqrt(qq * kn_ref[0, 0, 0])
    p = jnp.exp2((st - b).astype(jnp.bfloat16))
    oe = lax.dot_general(vt, p, (((1,), (0,)), ((), ())),
                         preferred_element_type=jnp.float32)
    ot_ref[0] = oe[:_DH] / oe[_DH:_DH + 1]


def _attn(qT, kT, vTe, knb):
    qspec = pl.BlockSpec((1, _DH, _BQ), lambda h, j: (h, 0, j))
    kspec = pl.BlockSpec((1, _DH, _NPAD), lambda h, j: (h, 0, 0))
    vspec = pl.BlockSpec((1, 2 * _DH, _NPAD), lambda h, j: (h, 0, 0))
    nspec = pl.BlockSpec((1, 8, _C), lambda h, j: (h, 0, 0))
    ospec = pl.BlockSpec((1, _DH, _BQ), lambda h, j: (h, 0, j))
    return pl.pallas_call(
        _attn_body,
        grid=(_H, _NPAD // _BQ),
        in_specs=[qspec, kspec, vspec, nspec],
        out_specs=ospec,
        out_shape=jax.ShapeDtypeStruct((_H, _DH, _NPAD), jnp.float32),
    )(qT, kT, vTe, knb)



def _k3_body(h_ref, a0_ref, a1_ref, ac_ref, g1t, g1b, g2t, g2b, wot, bo_,
             t1_ref, t2_ref, s1_ref, q1_ref, s2_ref, q2_ref):
    i = pl.program_id(0)
    h = h_ref[...]
    z = h + a0_ref[...] + a1_ref[...]
    u = jnp.maximum(jnp.dot(z, g1t[...], preferred_element_type=jnp.float32)
                    + g1b[...], 0.0)
    t1 = jnp.dot(u, g2t[...], preferred_element_type=jnp.float32) + g2b[...] + h
    t2 = jnp.dot(ac_ref[...], wot[...], preferred_element_type=jnp.float32) \
        + bo_[...] + h
    t1_ref[...] = t1
    t2_ref[...] = t2

    @pl.when(i == 0)
    def _():
        s1_ref[...] = jnp.zeros_like(s1_ref)
        q1_ref[...] = jnp.zeros_like(q1_ref)
        s2_ref[...] = jnp.zeros_like(s2_ref)
        q2_ref[...] = jnp.zeros_like(q2_ref)

    s1_ref[...] += jnp.sum(t1, axis=0, keepdims=True)
    q1_ref[...] += jnp.sum(t1 * t1, axis=0, keepdims=True)
    s2_ref[...] += jnp.sum(t2, axis=0, keepdims=True)
    q2_ref[...] += jnp.sum(t2 * t2, axis=0, keepdims=True)


def _k3(h, a0, a1, ac, g1t, g1b, g2t, g2b, wot, bo):
    row = pl.BlockSpec((_BM, _C), lambda i: (i, 0))
    full = pl.BlockSpec((_C, _C), lambda i: (0, 0))
    vec = pl.BlockSpec((1, _C), lambda i: (0, 0))
    big = jax.ShapeDtypeStruct((_N, _C), jnp.float32)
    st = jax.ShapeDtypeStruct((1, _C), jnp.float32)
    return pl.pallas_call(
        _k3_body,
        grid=(_N // _BM,),
        in_specs=[row, row, row, row, full, vec, full, vec, full, vec],
        out_specs=[row, row, vec, vec, vec, vec],
        out_shape=[big, big, st, st, st, st],
    )(h, a0, a1, ac, g1t, g1b, g2t, g2b, wot, bo)



def _k4_body(t1_ref, t2_ref, s1, q1, s2, q2, g1, b1, g2, b2,
             wm1t, bm1_, wm2t, bm2_, t3_ref, s3_ref, q3_ref):
    i = pl.program_id(0)
    inv_n = 1.0 / _N
    mu1 = s1[...] * inv_n
    var1 = q1[...] * inv_n - mu1 * mu1
    sc1 = g1[...] * lax.rsqrt(var1 + _EPS)
    sh1 = b1[...] - mu1 * sc1
    mu2 = s2[...] * inv_n
    var2 = q2[...] * inv_n - mu2 * mu2
    sc2 = g2[...] * lax.rsqrt(var2 + _EPS)
    sh2 = b2[...] - mu2 * sc2
    out0 = t1_ref[...] * sc1 + sh1 + t2_ref[...] * sc2 + sh2
    mm = jnp.maximum(jnp.dot(out0, wm1t[...], preferred_element_type=jnp.float32)
                     + bm1_[...], 0.0)
    t3 = out0 + jnp.dot(mm, wm2t[...], preferred_element_type=jnp.float32) \
        + bm2_[...]
    t3_ref[...] = t3

    @pl.when(i == 0)
    def _():
        s3_ref[...] = jnp.zeros_like(s3_ref)
        q3_ref[...] = jnp.zeros_like(q3_ref)

    s3_ref[...] += jnp.sum(t3, axis=0, keepdims=True)
    q3_ref[...] += jnp.sum(t3 * t3, axis=0, keepdims=True)


def _k4(t1, t2, s1, q1, s2, q2, g1, b1, g2, b2, wm1t, bm1, wm2t, bm2):
    row = pl.BlockSpec((_BM, _C), lambda i: (i, 0))
    vec = pl.BlockSpec((1, _C), lambda i: (0, 0))
    vec2 = pl.BlockSpec((1, 2 * _C), lambda i: (0, 0))
    w1 = pl.BlockSpec((_C, 2 * _C), lambda i: (0, 0))
    w2 = pl.BlockSpec((2 * _C, _C), lambda i: (0, 0))
    big = jax.ShapeDtypeStruct((_N, _C), jnp.float32)
    st = jax.ShapeDtypeStruct((1, _C), jnp.float32)
    return pl.pallas_call(
        _k4_body,
        grid=(_N // _BM,),
        in_specs=[row, row, vec, vec, vec, vec, vec, vec, vec, vec,
                  w1, vec2, w2, vec],
        out_specs=[row, vec, vec],
        out_shape=[big, st, st],
    )(t1, t2, s1, q1, s2, q2, g1, b1, g2, b2, wm1t, bm1, wm2t, bm2)



def _k5_body(t3_ref, s3, q3, g3, b3, t4_ref, s4_ref, q4_ref):
    i = pl.program_id(0)
    inv_n = 1.0 / _N
    mu = s3[...] * inv_n
    var = q3[...] * inv_n - mu * mu
    sc = g3[...] * lax.rsqrt(var + _EPS)
    sh = b3[...] - mu * sc
    t4 = jnp.maximum(t3_ref[...] * sc + sh, 0.0)
    t4_ref[...] = t4

    @pl.when(i == 0)
    def _():
        s4_ref[...] = jnp.zeros_like(s4_ref)
        q4_ref[...] = jnp.zeros_like(q4_ref)

    s4_ref[...] += jnp.sum(t4, axis=0, keepdims=True)
    q4_ref[...] += jnp.sum(t4 * t4, axis=0, keepdims=True)


def _k5(t3, s3, q3, g3, b3):
    row = pl.BlockSpec((_BM, _C), lambda i: (i, 0))
    vec = pl.BlockSpec((1, _C), lambda i: (0, 0))
    big = jax.ShapeDtypeStruct((_N, _C), jnp.float32)
    st = jax.ShapeDtypeStruct((1, _C), jnp.float32)
    return pl.pallas_call(
        _k5_body,
        grid=(_N // _BM,),
        in_specs=[row, vec, vec, vec, vec],
        out_specs=[row, vec, vec],
        out_shape=[big, st, st],
    )(t3, s3, q3, g3, b3)



def _k6_body(t4_ref, s4, q4, g, b, wrt, brow, y_ref):
    inv_n = 1.0 / _N
    mu = s4[...] * inv_n
    var = q4[...] * inv_n - mu * mu
    sc = g[...] * lax.rsqrt(var + _EPS)
    sh = b[...] - mu * sc
    out2 = t4_ref[...] * sc + sh
    y_ref[...] = jnp.dot(out2, wrt[...], preferred_element_type=jnp.float32) \
        + brow[...]


def _k6(t4, s4, q4, g, b, wrt, brow):
    row = pl.BlockSpec((_BM, _C), lambda i: (i, 0))
    vec = pl.BlockSpec((1, _C), lambda i: (0, 0))
    full = pl.BlockSpec((_C, _C), lambda i: (0, 0))
    return pl.pallas_call(
        _k6_body,
        grid=(_N // _BM,),
        in_specs=[row, vec, vec, vec, vec, full, vec],
        out_specs=row,
        out_shape=jax.ShapeDtypeStruct((_N, _C), jnp.float32),
    )(t4, s4, q4, g, b, wrt, brow)



def kernel(x, edge_index, W_in, b_in, gW1, gb1, gW2, gb2, Wq, bq, Wk, bk,
           Wv, bv, Wo, bo, bn1_g, bn1_b, bn2_g, bn2_b, Wm1, bm1, Wm2, bm2,
           bn3_g, bn3_b, obn_g, obn_b, W_root, b_root, W_rel, b_rel):
    r = lambda t: t.reshape(1, -1)
    hm = (jnp.arange(_C)[:, None] // _DH
          == jnp.arange(_C)[None, :]).astype(jnp.float32)
    h, q, k, v, kn = _k1(x, W_in.T, r(b_in), Wq.T, r(bq), Wk.T, r(bk),
                         Wv.T, r(bv), hm)
    parts = _scatter_partials(h, edge_index)

    def t3d(a):
        a = a.reshape(_N, _H, _DH).transpose(1, 2, 0)
        return jnp.pad(a, ((0, 0), (0, 0), (0, _NPAD - _N)))

    vTe = jnp.concatenate(
        [t3d(v),
         jnp.broadcast_to((jnp.arange(_NPAD) < _N).astype(jnp.bfloat16),
                          (_H, 1, _NPAD)),
         jnp.zeros((_H, _DH - 1, _NPAD), jnp.bfloat16)], axis=1)
    knb = jnp.broadcast_to(kn[0, :_H, None, None], (_H, 8, _C))
    aT = _attn(t3d(q), t3d(k), vTe, knb)
    ac = aT.transpose(2, 0, 1).reshape(_NPAD, _C)[:_N]

    t1, t2, s1, q1, s2, q2 = _k3(h, parts[0], parts[1], ac,
                                 gW1.T, r(gb1), gW2.T, r(gb2), Wo.T, r(bo))
    t3, s3, q3 = _k4(t1, t2, s1, q1, s2, q2, r(bn1_g), r(bn1_b),
                     r(bn2_g), r(bn2_b), Wm1.T, r(bm1), Wm2.T, r(bm2))
    t4, s4, q4 = _k5(t3, s3, q3, r(bn3_g), r(bn3_b))
    wrt = jnp.pad((W_root + W_rel).T, ((0, 0), (0, _C - 40)))
    brow = jnp.pad(b_root + b_rel, (0, _C - 40)).reshape(1, -1)
    y = _k6(t4, s4, q4, r(obn_g), r(obn_b), wrt, brow)
    return y[:, :40]

# --- scband reference (transcript-rebuilt; emitter-appended) ---
"""Pipeline reference for scband-graph-transformer-21234318311559 (READ-ONLY COPY).

The authoritative reference and input builder live on the scoring server;
editing this copy changes nothing except your own understanding.
"""

import jax, jax.numpy as jnp
import numpy as np

N = 10000
E = 320000
D_IN = 128
C = 128
HEADS = 8
NCLS = 40
EPS = 1e-5

def _lin(k, fo, fi):
    return jax.random.normal(k, (fo, fi), jnp.float32) * (1.0 / np.sqrt(fi))

def setup_inputs(seed: int = 0):
    key = jax.random.key(seed)
    ks = jax.random.split(key, 24)
    inp = {}
    inp["x"] = jax.random.normal(ks[0], (N, D_IN), jnp.float32)
    inp["edge_index"] = jax.random.randint(ks[1], (2, E), 0, N, dtype=jnp.int32)
    inp["W_in"] = _lin(ks[2], C, D_IN); inp["b_in"] = jnp.zeros((C,), jnp.float32)
    inp["gW1"] = _lin(ks[3], C, C); inp["gb1"] = jnp.zeros((C,), jnp.float32)
    inp["gW2"] = _lin(ks[4], C, C); inp["gb2"] = jnp.zeros((C,), jnp.float32)
    inp["Wq"] = _lin(ks[5], C, C); inp["bq"] = jnp.zeros((C,), jnp.float32)
    inp["Wk"] = _lin(ks[6], C, C); inp["bk"] = jnp.zeros((C,), jnp.float32)
    inp["Wv"] = _lin(ks[7], C, C); inp["bv"] = jnp.zeros((C,), jnp.float32)
    inp["Wo"] = _lin(ks[8], C, C); inp["bo"] = jnp.zeros((C,), jnp.float32)
    inp["bn1_g"] = jnp.ones((C,), jnp.float32); inp["bn1_b"] = jnp.zeros((C,), jnp.float32)
    inp["bn2_g"] = jnp.ones((C,), jnp.float32); inp["bn2_b"] = jnp.zeros((C,), jnp.float32)
    inp["Wm1"] = _lin(ks[9], 2 * C, C); inp["bm1"] = jnp.zeros((2 * C,), jnp.float32)
    inp["Wm2"] = _lin(ks[10], C, 2 * C); inp["bm2"] = jnp.zeros((C,), jnp.float32)
    inp["bn3_g"] = jnp.ones((C,), jnp.float32); inp["bn3_b"] = jnp.zeros((C,), jnp.float32)
    inp["obn_g"] = jnp.ones((C,), jnp.float32); inp["obn_b"] = jnp.zeros((C,), jnp.float32)
    inp["W_root"] = _lin(ks[11], NCLS, C); inp["b_root"] = jnp.zeros((NCLS,), jnp.float32)
    inp["W_rel"] = _lin(ks[12], NCLS, C); inp["b_rel"] = jnp.zeros((NCLS,), jnp.float32)
    return inp

def _bn(h, g, b):
    # BatchNorm1d in training mode (biased variance), matching torch forward
    mu = h.mean(axis=0, keepdims=True)
    var = h.var(axis=0, keepdims=True)
    return g * (h - mu) / jnp.sqrt(var + EPS) + b

def _head_attn(qh, kh, vh):
    a = jax.nn.softmax((qh @ kh.T) * (1.0 / np.sqrt(C // HEADS)), axis=-1)
    return a @ vh

def _mha(x, Wq, bq, Wk, bk, Wv, bv, Wo, bo):
    dh = C // HEADS
    q = (x @ Wq.T + bq).reshape(N, HEADS, dh)
    k = (x @ Wk.T + bk).reshape(N, HEADS, dh)
    v = (x @ Wv.T + bv).reshape(N, HEADS, dh)
    head = jax.checkpoint(_head_attn)
    outs = [head(q[:, h, :], k[:, h, :], v[:, h, :]) for h in range(HEADS)]
    o = jnp.concatenate(outs, axis=-1)
    return o @ Wo.T + bo

def reference(x, edge_index, W_in, b_in, gW1, gb1, gW2, gb2, Wq, bq, Wk, bk, Wv, bv, Wo, bo, bn1_g, bn1_b, bn2_g, bn2_b, Wm1, bm1, Wm2, bm2, bn3_g, bn3_b, obn_g, obn_b, W_root, b_root, W_rel, b_rel):
    # input_linear
    h = x @ W_in.T + b_in
    # --- GPSConv layer (L=1): GINConv local branch ---
    src = edge_index[0]
    dst = edge_index[1]
    agg = jnp.zeros_like(h).at[dst].add(h[src])  # sum aggregation of x_j -> dst
    z = h + agg  # (1 + eps) * x_r + aggr, eps = 0
    local = jnp.maximum(z @ gW1.T + gb1, 0.0) @ gW2.T + gb2  # GIN nn: Linear-ReLU-Linear
    local = local + h  # residual (dropout p=0)
    local = _bn(local, bn1_g, bn1_b)
    # --- global multihead attention branch (single graph => dense batch of 1) ---
    att = _mha(h, Wq, bq, Wk, bk, Wv, bv, Wo, bo)
    att = att + h
    att = _bn(att, bn2_g, bn2_b)
    out = local + att
    # --- GPS MLP: Linear(C,2C)-ReLU-Linear(2C,C) with residual ---
    m = jnp.maximum(out @ Wm1.T + bm1, 0.0) @ Wm2.T + bm2
    out = _bn(out + m, bn3_g, bn3_b)
    # --- outer non-linearity + outer BatchNorm ---
    out = jnp.maximum(out, 0.0)
    out = _bn(out, obn_g, obn_b)
    # --- FinalLayer with use_W1=True: lin_root(x) + lin_rel(x) ---
    return (out @ W_root.T + b_root) + (out @ W_rel.T + b_rel)

if __name__ == "__main__":
    import jax
    _d = setup_inputs()
    print(jax.jit(kernel)(*tuple(_d.values())))

</pallas_src>

<mosaic_0001>
#map = affine_map<(d0, d1) -> (0, 0)>
#map1 = affine_map<(d0, d1) -> (0, 0, 0)>
module attributes {stable_mosaic.version = 14 : i64} {
  func.func @k(%arg0: i32, %arg1: i32, %arg2: memref<10000x128xf32, #tpu.memory_space<hbm>>, %arg3: memref<2x320000xi32, #tpu.memory_space<hbm>>, %arg4: memref<10000x128xf32, #tpu.memory_space<hbm>>, %arg5: memref<2x10000x128xf32, #tpu.memory_space<hbm>>, %arg6: memref<128xi32, #tpu.memory_space<vmem>>, %arg7: memref<128xi32, #tpu.memory_space<vmem>>, %arg8: memref<128x128xf32, #tpu.memory_space<vmem>>, %arg9: memref<10000x128xf32, #tpu.memory_space<vmem_shared>>, %arg10: memref<!tpu.dma_semaphore, #tpu.memory_space<semaphore_mem>>) attributes {dimension_semantics = [#tpu.dimension_semantics<core_parallel>, #tpu.dimension_semantics<subcore_parallel>], iteration_bounds = array<i64: 2, 16>, scalar_prefetch = 0 : i64, scratch_operands = 5 : i64, tpu.core_type = #tpu.core_type<sc_vector_subcore>, window_params = [{transform_indices = #map}, {transform_indices = #map}, {transform_indices = #map}, {transform_indices = #map1}]} {
    %mul3A = arith.constant 2 : i32
    %mul3A_0 = arith.muli %arg1, %mul3A : i32
    %add3A = arith.addi %mul3A_0, %arg0 : i32
    %eq3A = arith.constant 0 : i32
    %eq3A_1 = arith.cmpi eq, %arg1, %eq3A : i32
    %convert_element_type3A = arith.extui %eq3A_1 : i1 to i32
    %cond3A = arith.constant 0 : i32
    %cond3A_2 = arith.cmpi ne, %convert_element_type3A, %cond3A : i32
    scf.if %cond3A_2 {
      "tpu.region"() ({
        %run_scoped3A = tpu.sem_alloc : memref<!tpu.dma_semaphore, #tpu.memory_space<semaphore_mem>>
        tpu.enqueue_dma source(%arg4 : memref<10000x128xf32, #tpu.memory_space<hbm>>) target(%arg9 : memref<10000x128xf32, #tpu.memory_space<vmem_shared>>) target_semaphore(%run_scoped3A : memref<!tpu.dma_semaphore, #tpu.memory_space<semaphore_mem>>)
        tpu.wait_dma2 semaphore(%run_scoped3A : memref<!tpu.dma_semaphore, #tpu.memory_space<semaphore_mem>>) src(%arg4 : memref<10000x128xf32, #tpu.memory_space<hbm>>) dst(%arg9 : memref<10000x128xf32, #tpu.memory_space<vmem_shared>>)
        tpu.yield
      }) : () -> ()
    } else {
    }
    %barrier3A = arith.constant 0 : index
    tpu.barrier barrier_id(%barrier3A)
    %scan3A = arith.constant 0 : i32
    %scan3A_3 = arith.constant 0 : i32
    %scan3A_4 = arith.constant 78 : i32
    %scan3A_5 = arith.addi %scan3A_3, %scan3A_4 : i32
    %scan3A_6 = arith.constant 1 : i32
    scf.for %scan3A_18 = %scan3A_3 to %scan3A_5 step %scan3A_6  : i32 {
      %mul3A_19 = arith.constant 78 : i32
      %mul3A_20 = arith.muli %add3A, %mul3A_19 : i32
      %add3A_21 = arith.addi %mul3A_20, %scan3A_18 : i32
      %mul3A_22 = arith.constant 128 : i32
      %mul3A_23 = arith.muli %add3A_21, %mul3A_22 : i32
      %run_scoped3A = arith.constant 0 : i32
      "tpu.region"() ({
        %run_scoped3A_29 = tpu.sem_alloc : memref<!tpu.dma_semaphore, #tpu.memory_space<semaphore_mem>>
        %dma_start3A_30 = tpu.memref_slice %arg3[%run_scoped3A, %mul3A_23] : memref<2x320000xi32, #tpu.memory_space<hbm>> -> memref<1x128xi32, #tpu.memory_space<hbm>>
        %dma_start3A_31 = tpu.memref_squeeze %dma_start3A_30 : memref<1x128xi32, #tpu.memory_space<hbm>> -> memref<128xi32, #tpu.memory_space<hbm>>
        %dma_start3A_32 = tpu.memref_slice %arg3[%run_scoped3A, %mul3A_23] : memref<2x320000xi32, #tpu.memory_space<hbm>> -> memref<1x128xi32, #tpu.memory_space<hbm>>
        %dma_start3A_33 = tpu.memref_squeeze %dma_start3A_32 : memref<1x128xi32, #tpu.memory_space<hbm>> -> memref<128xi32, #tpu.memory_space<hbm>>
        tpu.enqueue_dma source(%dma_start3A_33 : memref<128xi32, #tpu.memory_space<hbm>>) target(%arg6 : memref<128xi32, #tpu.memory_space<vmem>>) target_semaphore(%run_scoped3A_29 : memref<!tpu.dma_semaphore, #tpu.memory_space<semaphore_mem>>)
        %dma_wait3A_34 = tpu.memref_slice %arg3[%run_scoped3A, %mul3A_23] : memref<2x320000xi32, #tpu.memory_space<hbm>> -> memref<1x128xi32, #tpu.memory_space<hbm>>
        %dma_wait3A_35 = tpu.memref_squeeze %dma_wait3A_34 : memref<1x128xi32, #tpu.memory_space<hbm>> -> memref<128xi32, #tpu.memory_space<hbm>>
        %dma_wait3A_36 = tpu.memref_slice %arg3[%run_scoped3A, %mul3A_23] : memref<2x320000xi32, #tpu.memory_space<hbm>> -> memref<1x128xi32, #tpu.memory_space<hbm>>
        %dma_wait3A_37 = tpu.memref_squeeze %dma_wait3A_36 : memref<1x128xi32, #tpu.memory_space<hbm>> -> memref<128xi32, #tpu.memory_space<hbm>>
        tpu.wait_dma2 semaphore(%run_scoped3A_29 : memref<!tpu.dma_semaphore, #tpu.memory_space<semaphore_mem>>) src(%dma_wait3A_37 : memref<128xi32, #tpu.memory_space<hbm>>) dst(%arg6 : memref<128xi32, #tpu.memory_space<vmem>>)
        tpu.yield
      }) : () -> ()
      %run_scoped3A_24 = arith.constant 1 : i32
      "tpu.region"() ({
        %run_scoped3A_29 = tpu.sem_alloc : memref<!tpu.dma_semaphore, #tpu.memory_space<semaphore_mem>>
        %dma_start3A_30 = tpu.memref_slice %arg3[%run_scoped3A_24, %mul3A_23] : memref<2x320000xi32, #tpu.memory_space<hbm>> -> memref<1x128xi32, #tpu.memory_space<hbm>>
        %dma_start3A_31 = tpu.memref_squeeze %dma_start3A_30 : memref<1x128xi32, #tpu.memory_space<hbm>> -> memref<128xi32, #tpu.memory_space<hbm>>
        %dma_start3A_32 = tpu.memref_slice %arg3[%run_scoped3A_24, %mul3A_23] : memref<2x320000xi32, #tpu.memory_space<hbm>> -> memref<1x128xi32, #tpu.memory_space<hbm>>
        %dma_start3A_33 = tpu.memref_squeeze %dma_start3A_32 : memref<1x128xi32, #tpu.memory_space<hbm>> -> memref<128xi32, #tpu.memory_space<hbm>>
        tpu.enqueue_dma source(%dma_start3A_33 : memref<128xi32, #tpu.memory_space<hbm>>) target(%arg7 : memref<128xi32, #tpu.memory_space<vmem>>) target_semaphore(%run_scoped3A_29 : memref<!tpu.dma_semaphore, #tpu.memory_space<semaphore_mem>>)
        %dma_wait3A_34 = tpu.memref_slice %arg3[%run_scoped3A_24, %mul3A_23] : memref<2x320000xi32, #tpu.memory_space<hbm>> -> memref<1x128xi32, #tpu.memory_space<hbm>>
        %dma_wait3A_35 = tpu.memref_squeeze %dma_wait3A_34 : memref<1x128xi32, #tpu.memory_space<hbm>> -> memref<128xi32, #tpu.memory_space<hbm>>
        %dma_wait3A_36 = tpu.memref_slice %arg3[%run_scoped3A_24, %mul3A_23] : memref<2x320000xi32, #tpu.memory_space<hbm>> -> memref<1x128xi32, #tpu.memory_space<hbm>>
        %dma_wait3A_37 = tpu.memref_squeeze %dma_wait3A_36 : memref<1x128xi32, #tpu.memory_space<hbm>> -> memref<128xi32, #tpu.memory_space<hbm>>
        tpu.wait_dma2 semaphore(%run_scoped3A_29 : memref<!tpu.dma_semaphore, #tpu.memory_space<semaphore_mem>>) src(%dma_wait3A_37 : memref<128xi32, #tpu.memory_space<hbm>>) dst(%arg7 : memref<128xi32, #tpu.memory_space<vmem>>)
        tpu.yield
      }) : () -> ()
      %dma_start3A = arith.constant 0 : i32
      %dma_start3A_25 = arith.constant 0 : i32
      %dma_start3A_26 = tpu.memref_slice %arg2[%dma_start3A, %dma_start3A_25] : memref<10000x128xf32, #tpu.memory_space<hbm>> -> memref<10000x128xf32, #tpu.memory_space<hbm>>
      tpu.enqueue_indirect_dma source(%dma_start3A_26 : memref<10000x128xf32, #tpu.memory_space<hbm>>) target(%arg8 : memref<128x128xf32, #tpu.memory_space<vmem>>) offsets(%arg6 : memref<128xi32, #tpu.memory_space<vmem>>) semaphore(%arg10 : memref<!tpu.dma_semaphore, #tpu.memory_space<semaphore_mem>>)
      %dma_wait3A = arith.constant 0 : i32
      %dma_wait3A_27 = arith.constant 0 : i32
      %dma_wait3A_28 = tpu.memref_slice %arg2[%dma_wait3A, %dma_wait3A_27] : memref<10000x128xf32, #tpu.memory_space<hbm>> -> memref<10000x128xf32, #tpu.memory_space<hbm>>
      tpu.wait_indirect_dma semaphore(%arg10 : memref<!tpu.dma_semaphore, #tpu.memory_space<semaphore_mem>>) src(%dma_wait3A_28 : memref<10000x128xf32, #tpu.memory_space<hbm>>) dst(%arg8 : memref<128x128xf32, #tpu.memory_space<vmem>>)
      "tpu.region"() ({
        %run_scoped3A_29 = tpu.sem_alloc : memref<!tpu.dma_semaphore, #tpu.memory_space<semaphore_mem>>
        %dma_start3A_30 = arith.constant 0 : i32
        %dma_start3A_31 = arith.constant 0 : i32
        %dma_start3A_32 = tpu.memref_slice %arg9[%dma_start3A_30, %dma_start3A_31] : memref<10000x128xf32, #tpu.memory_space<vmem_shared>> -> memref<10000x128xf32, #tpu.memory_space<vmem_shared>>
        tpu.enqueue_indirect_dma source(%arg8 : memref<128x128xf32, #tpu.memory_space<vmem>>) target(%dma_start3A_32 : memref<10000x128xf32, #tpu.memory_space<vmem_shared>>) offsets(%arg7 : memref<128xi32, #tpu.memory_space<vmem>>) semaphore(%run_scoped3A_29 : memref<!tpu.dma_semaphore, #tpu.memory_space<semaphore_mem>>) {add = true}
        %dma_wait3A_33 = arith.constant 0 : i32
        %dma_wait3A_34 = arith.constant 0 : i32
        %dma_wait3A_35 = tpu.memref_slice %arg9[%dma_wait3A_33, %dma_wait3A_34] : memref<10000x128xf32, #tpu.memory_space<vmem_shared>> -> memref<10000x128xf32, #tpu.memory_space<vmem_shared>>
        tpu.wait_indirect_dma semaphore(%run_scoped3A_29 : memref<!tpu.dma_semaphore, #tpu.memory_space<semaphore_mem>>) src(%arg8 : memref<128x128xf32, #tpu.memory_space<vmem>>) dst(%dma_wait3A_35 : memref<10000x128xf32, #tpu.memory_space<vmem_shared>>)
        tpu.yield
      }) : () -> ()
    }
    %scan3A_7 = arith.constant 78 : i32
    %lt3A = arith.constant 4 : i32
    %lt3A_8 = arith.cmpi slt, %add3A, %lt3A : i32
    %convert_element_type3A_9 = arith.extui %lt3A_8 : i1 to i32
    %cond3A_10 = arith.constant 0 : i32
    %cond3A_11 = arith.cmpi ne, %convert_element_type3A_9, %cond3A_10 : i32
    scf.if %cond3A_11 {
      %add3A_18 = arith.constant 2496 : i32
      %add3A_19 = arith.addi %add3A_18, %add3A : i32
      %mul3A_20 = arith.constant 128 : i32
      %mul3A_21 = arith.muli %add3A_19, %mul3A_20 : i32
      %run_scoped3A = arith.constant 0 : i32
      "tpu.region"() ({
        %run_scoped3A_27 = tpu.sem_alloc : memref<!tpu.dma_semaphore, #tpu.memory_space<semaphore_mem>>
        %dma_start3A_28 = tpu.memref_slice %arg3[%run_scoped3A, %mul3A_21] : memref<2x320000xi32, #tpu.memory_space<hbm>> -> memref<1x128xi32, #tpu.memory_space<hbm>>
        %dma_start3A_29 = tpu.memref_squeeze %dma_start3A_28 : memref<1x128xi32, #tpu.memory_space<hbm>> -> memref<128xi32, #tpu.memory_space<hbm>>
        %dma_start3A_30 = tpu.memref_slice %arg3[%run_scoped3A, %mul3A_21] : memref<2x320000xi32, #tpu.memory_space<hbm>> -> memref<1x128xi32, #tpu.memory_space<hbm>>
        %dma_start3A_31 = tpu.memref_squeeze %dma_start3A_30 : memref<1x128xi32, #tpu.memory_space<hbm>> -> memref<128xi32, #tpu.memory_space<hbm>>
        tpu.enqueue_dma source(%dma_start3A_31 : memref<128xi32, #tpu.memory_space<hbm>>) target(%arg6 : memref<128xi32, #tpu.memory_space<vmem>>) target_semaphore(%run_scoped3A_27 : memref<!tpu.dma_semaphore, #tpu.memory_space<semaphore_mem>>)
        %dma_wait3A_32 = tpu.memref_slice %arg3[%run_scoped3A, %mul3A_21] : memref<2x320000xi32, #tpu.memory_space<hbm>> -> memref<1x128xi32, #tpu.memory_space<hbm>>
        %dma_wait3A_33 = tpu.memref_squeeze %dma_wait3A_32 : memref<1x128xi32, #tpu.memory_space<hbm>> -> memref<128xi32, #tpu.memory_space<hbm>>
        %dma_wait3A_34 = tpu.memref_slice %arg3[%run_scoped3A, %mul3A_21] : memref<2x320000xi32, #tpu.memory_space<hbm>> -> memref<1x128xi32, #tpu.memory_space<hbm>>
        %dma_wait3A_35 = tpu.memref_squeeze %dma_wait3A_34 : memref<1x128xi32, #tpu.memory_space<hbm>> -> memref<128xi32, #tpu.memory_space<hbm>>
        tpu.wait_dma2 semaphore(%run_scoped3A_27 : memref<!tpu.dma_semaphore, #tpu.memory_space<semaphore_mem>>) src(%dma_wait3A_35 : memref<128xi32, #tpu.memory_space<hbm>>) dst(%arg6 : memref<128xi32, #tpu.memory_space<vmem>>)
        tpu.yield
      }) : () -> ()
      %run_scoped3A_22 = arith.constant 1 : i32
      "tpu.region"() ({
        %run_scoped3A_27 = tpu.sem_alloc : memref<!tpu.dma_semaphore, #tpu.memory_space<semaphore_mem>>
        %dma_start3A_28 = tpu.memref_slice %arg3[%run_scoped3A_22, %mul3A_21] : memref<2x320000xi32, #tpu.memory_space<hbm>> -> memref<1x128xi32, #tpu.memory_space<hbm>>
        %dma_start3A_29 = tpu.memref_squeeze %dma_start3A_28 : memref<1x128xi32, #tpu.memory_space<hbm>> -> memref<128xi32, #tpu.memory_space<hbm>>
        %dma_start3A_30 = tpu.memref_slice %arg3[%run_scoped3A_22, %mul3A_21] : memref<2x320000xi32, #tpu.memory_space<hbm>> -> memref<1x128xi32, #tpu.memory_space<hbm>>
        %dma_start3A_31 = tpu.memref_squeeze %dma_start3A_30 : memref<1x128xi32, #tpu.memory_space<hbm>> -> memref<128xi32, #tpu.memory_space<hbm>>
        tpu.enqueue_dma source(%dma_start3A_31 : memref<128xi32, #tpu.memory_space<hbm>>) target(%arg7 : memref<128xi32, #tpu.memory_space<vmem>>) target_semaphore(%run_scoped3A_27 : memref<!tpu.dma_semaphore, #tpu.memory_space<semaphore_mem>>)
        %dma_wait3A_32 = tpu.memref_slice %arg3[%run_scoped3A_22, %mul3A_21] : memref<2x320000xi32, #tpu.memory_space<hbm>> -> memref<1x128xi32, #tpu.memory_space<hbm>>
        %dma_wait3A_33 = tpu.memref_squeeze %dma_wait3A_32 : memref<1x128xi32, #tpu.memory_space<hbm>> -> memref<128xi32, #tpu.memory_space<hbm>>
        %dma_wait3A_34 = tpu.memref_slice %arg3[%run_scoped3A_22, %mul3A_21] : memref<2x320000xi32, #tpu.memory_space<hbm>> -> memref<1x128xi32, #tpu.memory_space<hbm>>
        %dma_wait3A_35 = tpu.memref_squeeze %dma_wait3A_34 : memref<1x128xi32, #tpu.memory_space<hbm>> -> memref<128xi32, #tpu.memory_space<hbm>>
        tpu.wait_dma2 semaphore(%run_scoped3A_27 : memref<!tpu.dma_semaphore, #tpu.memory_space<semaphore_mem>>) src(%dma_wait3A_35 : memref<128xi32, #tpu.memory_space<hbm>>) dst(%arg7 : memref<128xi32, #tpu.memory_space<vmem>>)
        tpu.yield
      }) : () -> ()
      %dma_start3A = arith.constant 0 : i32
      %dma_start3A_23 = arith.constant 0 : i32
      %dma_start3A_24 = tpu.memref_slice %arg2[%dma_start3A, %dma_start3A_23] : memref<10000x128xf32, #tpu.memory_space<hbm>> -> memref<10000x128xf32, #tpu.memory_space<hbm>>
      tpu.enqueue_indirect_dma source(%dma_start3A_24 : memref<10000x128xf32, #tpu.memory_space<hbm>>) target(%arg8 : memref<128x128xf32, #tpu.memory_space<vmem>>) offsets(%arg6 : memref<128xi32, #tpu.memory_space<vmem>>) semaphore(%arg10 : memref<!tpu.dma_semaphore, #tpu.memory_space<semaphore_mem>>)
      %dma_wait3A = arith.constant 0 : i32
      %dma_wait3A_25 = arith.constant 0 : i32
      %dma_wait3A_26 = tpu.memref_slice %arg2[%dma_wait3A, %dma_wait3A_25] : memref<10000x128xf32, #tpu.memory_space<hbm>> -> memref<10000x128xf32, #tpu.memory_space<hbm>>
      tpu.wait_indirect_dma semaphore(%arg10 : memref<!tpu.dma_semaphore, #tpu.memory_space<semaphore_mem>>) src(%dma_wait3A_26 : memref<10000x128xf32, #tpu.memory_space<hbm>>) dst(%arg8 : memref<128x128xf32, #tpu.memory_space<vmem>>)
      "tpu.region"() ({
        %run_scoped3A_27 = tpu.sem_alloc : memref<!tpu.dma_semaphore, #tpu.memory_space<semaphore_mem>>
        %dma_start3A_28 = arith.constant 0 : i32
        %dma_start3A_29 = arith.constant 0 : i32
        %dma_start3A_30 = tpu.memref_slice %arg9[%dma_start3A_28, %dma_start3A_29] : memref<10000x128xf32, #tpu.memory_space<vmem_shared>> -> memref<10000x128xf32, #tpu.memory_space<vmem_shared>>
        tpu.enqueue_indirect_dma source(%arg8 : memref<128x128xf32, #tpu.memory_space<vmem>>) target(%dma_start3A_30 : memref<10000x128xf32, #tpu.memory_space<vmem_shared>>) offsets(%arg7 : memref<128xi32, #tpu.memory_space<vmem>>) semaphore(%run_scoped3A_27 : memref<!tpu.dma_semaphore, #tpu.memory_space<semaphore_mem>>) {add = true}
        %dma_wait3A_31 = arith.constant 0 : i32
        %dma_wait3A_32 = arith.constant 0 : i32
        %dma_wait3A_33 = tpu.memref_slice %arg9[%dma_wait3A_31, %dma_wait3A_32] : memref<10000x128xf32, #tpu.memory_space<vmem_shared>> -> memref<10000x128xf32, #tpu.memory_space<vmem_shared>>
        tpu.wait_indirect_dma semaphore(%run_scoped3A_27 : memref<!tpu.dma_semaphore, #tpu.memory_space<semaphore_mem>>) src(%arg8 : memref<128x128xf32, #tpu.memory_space<vmem>>) dst(%dma_wait3A_33 : memref<10000x128xf32, #tpu.memory_space<vmem_shared>>)
        tpu.yield
      }) : () -> ()
    } else {
    }
    %barrier3A_12 = arith.constant 0 : index
    tpu.barrier barrier_id(%barrier3A_12)
    %eq3A_13 = arith.constant 0 : i32
    %eq3A_14 = arith.cmpi eq, %arg1, %eq3A_13 : i32
    %convert_element_type3A_15 = arith.extui %eq3A_14 : i1 to i32
    %cond3A_16 = arith.constant 0 : i32
    %cond3A_17 = arith.cmpi ne, %convert_element_type3A_15, %cond3A_16 : i32
    scf.if %cond3A_17 {
      "tpu.region"() ({
        %run_scoped3A = tpu.sem_alloc : memref<!tpu.dma_semaphore, #tpu.memory_space<semaphore_mem>>
        %dma_start3A = arith.constant 0 : i32
        %dma_start3A_18 = arith.constant 0 : i32
        %dma_start3A_19 = tpu.memref_slice %arg5[%arg0, %dma_start3A, %dma_start3A_18] : memref<2x10000x128xf32, #tpu.memory_space<hbm>> -> memref<1x10000x128xf32, #tpu.memory_space<hbm>>
        %dma_start3A_20 = tpu.memref_squeeze %dma_start3A_19 : memref<1x10000x128xf32, #tpu.memory_space<hbm>> -> memref<10000x128xf32, #tpu.memory_space<hbm>>
        tpu.enqueue_dma source(%arg9 : memref<10000x128xf32, #tpu.memory_space<vmem_shared>>) target(%dma_start3A_20 : memref<10000x128xf32, #tpu.memory_space<hbm>>) target_semaphore(%run_scoped3A : memref<!tpu.dma_semaphore, #tpu.memory_space<semaphore_mem>>)
        %dma_wait3A = arith.constant 0 : i32
        %dma_wait3A_21 = arith.constant 0 : i32
        %dma_wait3A_22 = tpu.memref_slice %arg5[%arg0, %dma_wait3A, %dma_wait3A_21] : memref<2x10000x128xf32, #tpu.memory_space<hbm>> -> memref<1x10000x128xf32, #tpu.memory_space<hbm>>
        %dma_wait3A_23 = tpu.memref_squeeze %dma_wait3A_22 : memref<1x10000x128xf32, #tpu.memory_space<hbm>> -> memref<10000x128xf32, #tpu.memory_space<hbm>>
        tpu.wait_dma2 semaphore(%run_scoped3A : memref<!tpu.dma_semaphore, #tpu.memory_space<semaphore_mem>>) src(%arg9 : memref<10000x128xf32, #tpu.memory_space<vmem_shared>>) dst(%dma_wait3A_23 : memref<10000x128xf32, #tpu.memory_space<hbm>>)
        tpu.yield
      }) : () -> ()
    } else {
    }
    return
  }
}

module attributes {stable_mosaic.version = 14 : i64} {
  func.func @_k1_body(%arg0: i32, %arg1: memref<1000x128xf32, #tpu.memory_space<vmem>>, %arg2: memref<128x128xf32, #tpu.memory_space<vmem>>, %arg3: memref<1x128xf32, #tpu.memory_space<vmem>>, %arg4: memref<128x128xf32, #tpu.memory_space<vmem>>, %arg5: memref<1x128xf32, #tpu.memory_space<vmem>>, %arg6: memref<128x128xf32, #tpu.memory_space<vmem>>, %arg7: memref<1x128xf32, #tpu.memory_space<vmem>>, %arg8: memref<128x128xf32, #tpu.memory_space<vmem>>, %arg9: memref<1x128xf32, #tpu.memory_space<vmem>>, %arg10: memref<128x128xf32, #tpu.memory_space<vmem>>, %arg11: memref<1000x128xf32, #tpu.memory_space<vmem>>, %arg12: memref<1000x128xbf16, #tpu.memory_space<vmem>>, %arg13: memref<1000x128xbf16, #tpu.memory_space<vmem>>, %arg14: memref<1000x128xbf16, #tpu.memory_space<vmem>>, %arg15: memref<1x128xf32, #tpu.memory_space<vmem>>) attributes {dimension_semantics = [#tpu.dimension_semantics<arbitrary>], iteration_bounds = array<i64: 10>, scalar_prefetch = 0 : i64, scratch_operands = 0 : i64, tpu.core_type = #tpu.core_type<tc>, window_params = [{transform_indices = @transform_0, window_bounds = array<i64: 1000, 128>}, {pipeline_mode = #tpu.pipeline_mode<synchronous>, transform_indices = @transform_1, window_bounds = array<i64: 128, 128>}, {pipeline_mode = #tpu.pipeline_mode<synchronous>, transform_indices = @transform_2, window_bounds = array<i64: 1, 128>}, {pipeline_mode = #tpu.pipeline_mode<synchronous>, transform_indices = @transform_3, window_bounds = array<i64: 128, 128>}, {pipeline_mode = #tpu.pipeline_mode<synchronous>, transform_indices = @transform_4, window_bounds = array<i64: 1, 128>}, {pipeline_mode = #tpu.pipeline_mode<synchronous>, transform_indices = @transform_5, window_bounds = array<i64: 128, 128>}, {pipeline_mode = #tpu.pipeline_mode<synchronous>, transform_indices = @transform_6, window_bounds = array<i64: 1, 128>}, {pipeline_mode = #tpu.pipeline_mode<synchronous>, transform_indices = @transform_7, window_bounds = array<i64: 128, 128>}, {pipeline_mode = #tpu.pipeline_mode<synchronous>, transform_indices = @transform_8, window_bounds = array<i64: 1, 128>}, {pipeline_mode = #tpu.pipeline_mode<synchronous>, transform_indices = @transform_9, window_bounds = array<i64: 128, 128>}, {transform_indices = @transform_10, window_bounds = array<i64: 1000, 128>}, {transform_indices = @transform_11, window_bounds = array<i64: 1000, 128>}, {transform_indices = @transform_12, window_bounds = array<i64: 1000, 128>}, {transform_indices = @transform_13, window_bounds = array<i64: 1000, 128>}, {pipeline_mode = #tpu.pipeline_mode<synchronous>, transform_indices = @transform_14, window_bounds = array<i64: 1, 128>}]} {
    %get3A = arith.constant 0 : index
    %get3A_0 = arith.constant 0 : index
    %get3A_1 = vector.load %arg1[%get3A, %get3A_0] : memref<1000x128xf32, #tpu.memory_space<vmem>>, vector<1000x128xf32>
    %get3A_2 = arith.constant 0 : index
    %get3A_3 = arith.constant 0 : index
    %get3A_4 = vector.load %arg2[%get3A_2, %get3A_3] : memref<128x128xf32, #tpu.memory_space<vmem>>, vector<128x128xf32>
    %dot_general3A = arith.constant dense<0.000000e+00> : vector<1000x128xf32>
    %dot_general3A_5 = tpu.matmul %get3A_1, %get3A_4, %dot_general3A {dimension_numbers = #tpu.dot_dimension_numbers<[1], [0], [0], [1], [0, 0, 1, 1], [], []>, transpose_lhs_hint = false} : vector<1000x128xf32>, vector<128x128xf32>, vector<1000x128xf32> -> vector<1000x128xf32>
    %get3A_6 = arith.constant 0 : index
    %get3A_7 = arith.constant 0 : index
    %get3A_8 = vector.load %arg3[%get3A_6, %get3A_7] : memref<1x128xf32, #tpu.memory_space<vmem>>, vector<1x128xf32>
    %add3A = vector.broadcast %get3A_8 : vector<1x128xf32> to vector<1000x128xf32>
    %add3A_9 = arith.addf %dot_general3A_5, %add3A : vector<1000x128xf32>
    %swap3A = arith.constant 0 : index
    %swap3A_10 = arith.constant 0 : index
    %swap3A_11 = vector.load %arg11[%swap3A, %swap3A_10] : memref<1000x128xf32, #tpu.memory_space<vmem>>, vector<1000x128xf32>
    tpu.vector_store %arg11[%swap3A, %swap3A_10], %add3A_9 {strides = array<i32>} : memref<1000x128xf32, #tpu.memory_space<vmem>>, vector<1000x128xf32>,
    %get3A_12 = arith.constant 0 : index
    %get3A_13 = arith.constant 0 : index
    %get3A_14 = vector.load %arg4[%get3A_12, %get3A_13] : memref<128x128xf32, #tpu.memory_space<vmem>>, vector<128x128xf32>
    %dot_general3A_15 = arith.constant dense<0.000000e+00> : vector<1000x128xf32>
    %dot_general3A_16 = tpu.matmul %add3A_9, %get3A_14, %dot_general3A_15 {dimension_numbers = #tpu.dot_dimension_numbers<[1], [0], [0], [1], [0, 0, 1, 1], [], []>, transpose_lhs_hint = false} : vector<1000x128xf32>, vector<128x128xf32>, vector<1000x128xf32> -> vector<1000x128xf32>
    %get3A_17 = arith.constant 0 : index
    %get3A_18 = arith.constant 0 : index
    %get3A_19 = vector.load %arg5[%get3A_17, %get3A_18] : memref<1x128xf32, #tpu.memory_space<vmem>>, vector<1x128xf32>
    %add3A_20 = vector.broadcast %get3A_19 : vector<1x128xf32> to vector<1000x128xf32>
    %add3A_21 = arith.addf %dot_general3A_16, %add3A_20 : vector<1000x128xf32>
    %mul3A = arith.constant 0.360673755 : f32
    %mul3A_22 = vector.broadcast %mul3A : f32 to vector<1000x128xf32>
    %mul3A_23 = arith.mulf %add3A_21, %mul3A_22 : vector<1000x128xf32>
    %convert_element_type3A = arith.truncf %mul3A_23 : vector<1000x128xf32> to vector<1000x128xbf16>
    %swap3A_24 = arith.constant 0 : index
    %swap3A_25 = arith.constant 0 : index
    %swap3A_26 = vector.load %arg12[%swap3A_24, %swap3A_25] : memref<1000x128xbf16, #tpu.memory_space<vmem>>, vector<1000x128xbf16>
    tpu.vector_store %arg12[%swap3A_24, %swap3A_25], %convert_element_type3A {strides = array<i32>} : memref<1000x128xbf16, #tpu.memory_space<vmem>>, vector<1000x128xbf16>,
    %get3A_27 = arith.constant 0 : index
    %get3A_28 = arith.constant 0 : index
    %get3A_29 = vector.load %arg6[%get3A_27, %get3A_28] : memref<128x128xf32, #tpu.memory_space<vmem>>, vector<128x128xf32>
    %dot_general3A_30 = arith.constant dense<0.000000e+00> : vector<1000x128xf32>
    %dot_general3A_31 = tpu.matmul %add3A_9, %get3A_29, %dot_general3A_30 {dimension_numbers = #tpu.dot_dimension_numbers<[1], [0], [0], [1], [0, 0, 1, 1], [], []>, transpose_lhs_hint = false} : vector<1000x128xf32>, vector<128x128xf32>, vector<1000x128xf32> -> vector<1000x128xf32>
    %get3A_32 = arith.constant 0 : index
    %get3A_33 = arith.constant 0 : index
    %get3A_34 = vector.load %arg7[%get3A_32, %get3A_33] : memref<1x128xf32, #tpu.memory_space<vmem>>, vector<1x128xf32>
    %add3A_35 = vector.broadcast %get3A_34 : vector<1x128xf32> to vector<1000x128xf32>
    %add3A_36 = arith.addf %dot_general3A_31, %add3A_35 : vector<1000x128xf32>
    %convert_element_type3A_37 = arith.truncf %add3A_36 : vector<1000x128xf32> to vector<1000x128xbf16>
    %swap3A_38 = arith.constant 0 : index
    %swap3A_39 = arith.constant 0 : index
    %swap3A_40 = vector.load %arg13[%swap3A_38, %swap3A_39] : memref<1000x128xbf16, #tpu.memory_space<vmem>>, vector<1000x128xbf16>
    tpu.vector_store %arg13[%swap3A_38, %swap3A_39], %convert_element_type3A_37 {strides = array<i32>} : memref<1000x128xbf16, #tpu.memory_space<vmem>>, vector<1000x128xbf16>,
    %get3A_41 = arith.constant 0 : index
    %get3A_42 = arith.constant 0 : index
    %get3A_43 = vector.load %arg8[%get3A_41, %get3A_42] : memref<128x128xf32, #tpu.memory_space<vmem>>, vector<128x128xf32>
    %dot_general3A_44 = arith.constant dense<0.000000e+00> : vector<1000x128xf32>
    %dot_general3A_45 = tpu.matmul %add3A_9, %get3A_43, %dot_general3A_44 {dimension_numbers = #tpu.dot_dimension_numbers<[1], [0], [0], [1], [0, 0, 1, 1], [], []>, transpose_lhs_hint = false} : vector<1000x128xf32>, vector<128x128xf32>, vector<1000x128xf32> -> vector<1000x128xf32>
    %get3A_46 = arith.constant 0 : index
    %get3A_47 = arith.constant 0 : index
    %get3A_48 = vector.load %arg9[%get3A_46, %get3A_47] : memref<1x128xf32, #tpu.memory_space<vmem>>, vector<1x128xf32>
    %add3A_49 = vector.broadcast %get3A_48 : vector<1x128xf32> to vector<1000x128xf32>
    %add3A_50 = arith.addf %dot_general3A_45, %add3A_49 : vector<1000x128xf32>
    %convert_element_type3A_51 = arith.truncf %add3A_50 : vector<1000x128xf32> to vector<1000x128xbf16>
    %swap3A_52 = arith.constant 0 : index
    %swap3A_53 = arith.constant 0 : index
    %swap3A_54 = vector.load %arg14[%swap3A_52, %swap3A_53] : memref<1000x128xbf16, #tpu.memory_space<vmem>>, vector<1000x128xbf16>
    tpu.vector_store %arg14[%swap3A_52, %swap3A_53], %convert_element_type3A_51 {strides = array<i32>} : memref<1000x128xbf16, #tpu.memory_space<vmem>>, vector<1000x128xbf16>,
    %mul3A_55 = arith.mulf %add3A_36, %add3A_36 : vector<1000x128xf32>
    %get3A_56 = arith.constant 0 : index
    %get3A_57 = arith.constant 0 : index
    %get3A_58 = vector.load %arg10[%get3A_56, %get3A_57] : memref<128x128xf32, #tpu.memory_space<vmem>>, vector<128x128xf32>
    %dot_general3A_59 = arith.constant dense<0.000000e+00> : vector<1000x128xf32>
    %dot_general3A_60 = tpu.matmul %mul3A_55, %get3A_58, %dot_general3A_59 {dimension_numbers = #tpu.dot_dimension_numbers<[1], [0], [0], [1], [0, 0, 1, 1], [], []>, transpose_lhs_hint = false} : vector<1000x128xf32>, vector<128x128xf32>, vector<1000x128xf32> -> vector<1000x128xf32>
    %reduce_max3A = arith.constant dense<0xFF800000> : vector<128xf32>
    %reduce_max3A_61 = vector.multi_reduction <maximumf>, %dot_general3A_60, %reduce_max3A [0] : vector<1000x128xf32> to vector<128xf32>
    %broadcast_in_dim3A = vector.shape_cast %reduce_max3A_61 : vector<128xf32> to vector<1x128xf32>
    %eq3A = arith.constant 0 : i32
    %eq3A_62 = arith.cmpi eq, %arg0, %eq3A : i32
    %convert_element_type3A_63 = arith.extui %eq3A_62 : i1 to i32
    %cond3A = arith.constant 0 : i32
    %cond3A_64 = arith.cmpi ne, %convert_element_type3A_63, %cond3A : i32
    scf.if %cond3A_64 {
      %broadcast_in_dim3A_71 = arith.constant 0.000000e+00 : f32
      %broadcast_in_dim3A_72 = vector.broadcast %broadcast_in_dim3A_71 : f32 to vector<1x128xf32>
      %swap3A_73 = arith.constant 0 : index
      %swap3A_74 = arith.constant 0 : index
      %swap3A_75 = vector.load %arg15[%swap3A_73, %swap3A_74] : memref<1x128xf32, #tpu.memory_space<vmem>>, vector<1x128xf32>
      tpu.vector_store %arg15[%swap3A_73, %swap3A_74], %broadcast_in_dim3A_72 {strides = array<i32>} : memref<1x128xf32, #tpu.memory_space<vmem>>, vector<1x128xf32>,
    } else {
    }
    %get3A_65 = arith.constant 0 : index
    %get3A_66 = arith.constant 0 : index
    %get3A_67 = vector.load %arg15[%get3A_65, %get3A_66] : memref<1x128xf32, #tpu.memory_space<vmem>>, vector<1x128xf32>
    %max3A = arith.maximumf %get3A_67, %broadcast_in_dim3A : vector<1x128xf32>
    %swap3A_68 = arith.constant 0 : index
    %swap3A_69 = arith.constant 0 : index
    %swap3A_70 = vector.load %arg15[%swap3A_68, %swap3A_69] : memref<1x128xf32, #tpu.memory_space<vmem>>, vector<1x128xf32>
    tpu.vector_store %arg15[%swap3A_68, %swap3A_69], %max3A {strides = array<i32>} : memref<1x128xf32, #tpu.memory_space<vmem>>, vector<1x128xf32>,
    return
  }
  func.func @transform_0(%arg0: i32) -> (i32, i32) {
    %c0_i32 = arith.constant 0 : i32
    %c0_i32_0 = arith.constant 0 : i32
    return %arg0, %c0_i32 : i32, i32
  }
  func.func @transform_1(%arg0: i32) -> (i32, i32) {
    %c0_i32 = arith.constant 0 : i32
    %c0_i32_0 = arith.constant 0 : i32
    %c0_i32_1 = arith.constant 0 : i32
    return %c0_i32, %c0_i32_0 : i32, i32
  }
  func.func @transform_2(%arg0: i32) -> (i32, i32) {
    %c0_i32 = arith.constant 0 : i32
    %c0_i32_0 = arith.constant 0 : i32
    %c0_i32_1 = arith.constant 0 : i32
    return %c0_i32, %c0_i32_0 : i32, i32
  }
  func.func @transform_3(%arg0: i32) -> (i32, i32) {
    %c0_i32 = arith.constant 0 : i32
    %c0_i32_0 = arith.constant 0 : i32
    %c0_i32_1 = arith.constant 0 : i32
    return %c0_i32, %c0_i32_0 : i32, i32
  }
  func.func @transform_4(%arg0: i32) -> (i32, i32) {
    %c0_i32 = arith.constant 0 : i32
    %c0_i32_0 = arith.constant 0 : i32
    %c0_i32_1 = arith.constant 0 : i32
    return %c0_i32, %c0_i32_0 : i32, i32
  }
  func.func @transform_5(%arg0: i32) -> (i32, i32) {
    %c0_i32 = arith.constant 0 : i32
    %c0_i32_0 = arith.constant 0 : i32
    %c0_i32_1 = arith.constant 0 : i32
    return %c0_i32, %c0_i32_0 : i32, i32
  }
  func.func @transform_6(%arg0: i32) -> (i32, i32) {
    %c0_i32 = arith.constant 0 : i32
    %c0_i32_0 = arith.constant 0 : i32
    %c0_i32_1 = arith.constant 0 : i32
    return %c0_i32, %c0_i32_0 : i32, i32
  }
  func.func @transform_7(%arg0: i32) -> (i32, i32) {
    %c0_i32 = arith.constant 0 : i32
    %c0_i32_0 = arith.constant 0 : i32
    %c0_i32_1 = arith.constant 0 : i32
    return %c0_i32, %c0_i32_0 : i32, i32
  }
  func.func @transform_8(%arg0: i32) -> (i32, i32) {
    %c0_i32 = arith.constant 0 : i32
    %c0_i32_0 = arith.constant 0 : i32
    %c0_i32_1 = arith.constant 0 : i32
    return %c0_i32, %c0_i32_0 : i32, i32
  }
  func.func @transform_9(%arg0: i32) -> (i32, i32) {
    %c0_i32 = arith.constant 0 : i32
    %c0_i32_0 = arith.constant 0 : i32
    %c0_i32_1 = arith.constant 0 : i32
    return %c0_i32, %c0_i32_0 : i32, i32
  }
  func.func @transform_10(%arg0: i32) -> (i32, i32) {
    %c0_i32 = arith.constant 0 : i32
    %c0_i32_0 = arith.constant 0 : i32
    return %arg0, %c0_i32 : i32, i32
  }
  func.func @transform_11(%arg0: i32) -> (i32, i32) {
    %c0_i32 = arith.constant 0 : i32
    %c0_i32_0 = arith.constant 0 : i32
    return %arg0, %c0_i32 : i32, i32
  }
  func.func @transform_12(%arg0: i32) -> (i32, i32) {
    %c0_i32 = arith.constant 0 : i32
    %c0_i32_0 = arith.constant 0 : i32
    return %arg0, %c0_i32 : i32, i32
  }
  func.func @transform_13(%arg0: i32) -> (i32, i32) {
    %c0_i32 = arith.constant 0 : i32
    %c0_i32_0 = arith.constant 0 : i32
    return %arg0, %c0_i32 : i32, i32
  }
  func.func @transform_14(%arg0: i32) -> (i32, i32) {
    %c0_i32 = arith.constant 0 : i32
    %c0_i32_0 = arith.constant 0 : i32
    %c0_i32_1 = arith.constant 0 : i32
    return %c0_i32, %c0_i32_0 : i32, i32
  }
}

module attributes {stable_mosaic.version = 14 : i64} {
  func.func @_attn_body(%arg0: i32, %arg1: i32, %arg2: memref<1x16x512xbf16, #tpu.memory_space<vmem>>, %arg3: memref<1x16x10240xbf16, #tpu.memory_space<vmem>>, %arg4: memref<1x32x10240xbf16, #tpu.memory_space<vmem>>, %arg5: memref<1x8x128xf32, #tpu.memory_space<vmem>>, %arg6: memref<1x16x512xf32, #tpu.memory_space<vmem>>) attributes {dimension_semantics = [#tpu.dimension_semantics<arbitrary>, #tpu.dimension_semantics<arbitrary>], iteration_bounds = array<i64: 8, 20>, scalar_prefetch = 0 : i64, scratch_operands = 0 : i64, tpu.core_type = #tpu.core_type<tc>, window_params = [{transform_indices = @transform_0, window_bounds = array<i64: 1, 16, 512>}, {transform_indices = @transform_1, window_bounds = array<i64: 1, 16, 10240>}, {transform_indices = @transform_2, window_bounds = array<i64: 1, 32, 10240>}, {transform_indices = @transform_3, window_bounds = array<i64: 1, 8, 128>}, {transform_indices = @transform_4, window_bounds = array<i64: 1, 16, 512>}]} {
    %get3A = arith.constant 0 : index
    %get3A_0 = arith.constant 0 : index
    %get3A_1 = arith.constant 0 : index
    %get3A_2 = vector.load %arg2[%get3A, %get3A_0, %get3A_1] : memref<1x16x512xbf16, #tpu.memory_space<vmem>>, vector<1x16x512xbf16>
    %get3A_3 = vector.shape_cast %get3A_2 : vector<1x16x512xbf16> to vector<16x512xbf16>
    %get3A_4 = arith.constant 0 : index
    %get3A_5 = arith.constant 0 : index
    %get3A_6 = arith.constant 0 : index
    %get3A_7 = vector.load %arg3[%get3A_4, %get3A_5, %get3A_6] : memref<1x16x10240xbf16, #tpu.memory_space<vmem>>, vector<1x16x10240xbf16>
    %get3A_8 = vector.shape_cast %get3A_7 : vector<1x16x10240xbf16> to vector<16x10240xbf16>
    %get3A_9 = arith.constant 0 : index
    %get3A_10 = arith.constant 0 : index
    %get3A_11 = arith.constant 0 : index
    %get3A_12 = vector.load %arg4[%get3A_9, %get3A_10, %get3A_11] : memref<1x32x10240xbf16, #tpu.memory_space<vmem>>, vector<1x32x10240xbf16>
    %get3A_13 = vector.shape_cast %get3A_12 : vector<1x32x10240xbf16> to vector<32x10240xbf16>
    %dot_general3A = arith.constant dense<0.000000e+00> : vector<10240x512xf32>
    %dot_general3A_14 = tpu.matmul %get3A_8, %get3A_3, %dot_general3A {dimension_numbers = #tpu.dot_dimension_numbers<[0], [0], [1], [1], [0, 1, 1, 1], [], []>, transpose_lhs_hint = false} : vector<16x10240xbf16>, vector<16x512xbf16>, vector<10240x512xf32> -> vector<10240x512xf32>
    %convert_element_type3A = arith.extf %get3A_3 : vector<16x512xbf16> to vector<16x512xf32>
    %mul3A = arith.mulf %convert_element_type3A, %convert_element_type3A : vector<16x512xf32>
    %reduce_sum3A = arith.constant dense<0.000000e+00> : vector<512xf32>
    %reduce_sum3A_15 = vector.multi_reduction <add>, %mul3A, %reduce_sum3A [0] : vector<16x512xf32> to vector<512xf32>
    %broadcast_in_dim3A = vector.shape_cast %reduce_sum3A_15 : vector<512xf32> to vector<1x512xf32>
    %get3A_16 = arith.constant 0 : index
    %get3A_17 = arith.constant 0 : index
    %get3A_18 = arith.constant 0 : index
    %get3A_19 = vector.load %arg5[%get3A_16, %get3A_17, %get3A_18] : memref<1x8x128xf32, #tpu.memory_space<vmem>>, vector<1x1x1xf32>
    %get3A_20 = vector.extract %get3A_19[0, 0, 0] : f32 from vector<1x1x1xf32>
    %mul3A_21 = vector.broadcast %get3A_20 : f32 to vector<1x512xf32>
    %mul3A_22 = arith.mulf %broadcast_in_dim3A, %mul3A_21 : vector<1x512xf32>
    %sqrt3A = math.sqrt %mul3A_22 : vector<1x512xf32>
    %sub3A = vector.broadcast %sqrt3A : vector<1x512xf32> to vector<10240x512xf32>
    %sub3A_23 = arith.subf %dot_general3A_14, %sub3A : vector<10240x512xf32>
    %convert_element_type3A_24 = arith.truncf %sub3A_23 : vector<10240x512xf32> to vector<10240x512xbf16>
    %exp23A = math.exp2 %convert_element_type3A_24 : vector<10240x512xbf16>
    %dot_general3A_25 = arith.constant dense<0.000000e+00> : vector<32x512xf32>
    %dot_general3A_26 = tpu.matmul %get3A_13, %exp23A, %dot_general3A_25 {dimension_numbers = #tpu.dot_dimension_numbers<[1], [0], [0], [1], [0, 0, 1, 1], [], []>, transpose_lhs_hint = false} : vector<32x10240xbf16>, vector<10240x512xbf16>, vector<32x512xf32> -> vector<32x512xf32>
    %slice3A = vector.extract_strided_slice %dot_general3A_26 {offsets = [0, 0], sizes = [16, 512], strides = [1, 1]} : vector<32x512xf32> to vector<16x512xf32>
    %slice3A_27 = vector.extract_strided_slice %dot_general3A_26 {offsets = [16, 0], sizes = [1, 512], strides = [1, 1]} : vector<32x512xf32> to vector<1x512xf32>
    %div3A = vector.broadcast %slice3A_27 : vector<1x512xf32> to vector<16x512xf32>
    %div3A_28 = arith.divf %slice3A, %div3A : vector<16x512xf32>
    %swap3A = arith.constant 0 : index
    %swap3A_29 = arith.constant 0 : index
    %swap3A_30 = arith.constant 0 : index
    %swap3A_31 = vector.load %arg6[%swap3A, %swap3A_29, %swap3A_30] : memref<1x16x512xf32, #tpu.memory_space<vmem>>, vector<1x16x512xf32>
    %swap3A_32 = vector.shape_cast %swap3A_31 : vector<1x16x512xf32> to vector<16x512xf32>
    %swap3A_33 = vector.shape_cast %div3A_28 : vector<16x512xf32> to vector<1x16x512xf32>
    tpu.vector_store %arg6[%swap3A, %swap3A_29, %swap3A_30], %swap3A_33 {strides = array<i32>} : memref<1x16x512xf32, #tpu.memory_space<vmem>>, vector<1x16x512xf32>,
    return
  }
  func.func @transform_0(%arg0: i32, %arg1: i32) -> (i32, i32, i32) {
    %c0_i32 = arith.constant 0 : i32
    %c0_i32_0 = arith.constant 0 : i32
    return %arg0, %c0_i32, %arg1 : i32, i32, i32
  }
  func.func @transform_1(%arg0: i32, %arg1: i32) -> (i32, i32, i32) {
    %c0_i32 = arith.constant 0 : i32
    %c0_i32_0 = arith.constant 0 : i32
    %c0_i32_1 = arith.constant 0 : i32
    return %arg0, %c0_i32, %c0_i32_0 : i32, i32, i32
  }
  func.func @transform_2(%arg0: i32, %arg1: i32) -> (i32, i32, i32) {
    %c0_i32 = arith.constant 0 : i32
    %c0_i32_0 = arith.constant 0 : i32
    %c0_i32_1 = arith.constant 0 : i32
    return %arg0, %c0_i32, %c0_i32_0 : i32, i32, i32
  }
  func.func @transform_3(%arg0: i32, %arg1: i32) -> (i32, i32, i32) {
    %c0_i32 = arith.constant 0 : i32
    %c0_i32_0 = arith.constant 0 : i32
    %c0_i32_1 = arith.constant 0 : i32
    return %arg0, %c0_i32, %c0_i32_0 : i32, i32, i32
  }
  func.func @transform_4(%arg0: i32, %arg1: i32) -> (i32, i32, i32) {
    %c0_i32 = arith.constant 0 : i32
    %c0_i32_0 = arith.constant 0 : i32
    return %arg0, %c0_i32, %arg1 : i32, i32, i32
  }
}

module attributes {stable_mosaic.version = 14 : i64} {
  func.func @_k3_body(%arg0: i32, %arg1: memref<1000x128xf32, #tpu.memory_space<vmem>>, %arg2: memref<1000x128xf32, #tpu.memory_space<vmem>>, %arg3: memref<1000x128xf32, #tpu.memory_space<vmem>>, %arg4: memref<1000x128xf32, #tpu.memory_space<vmem>>, %arg5: memref<128x128xf32, #tpu.memory_space<vmem>>, %arg6: memref<1x128xf32, #tpu.memory_space<vmem>>, %arg7: memref<128x128xf32, #tpu.memory_space<vmem>>, %arg8: memref<1x128xf32, #tpu.memory_space<vmem>>, %arg9: memref<128x128xf32, #tpu.memory_space<vmem>>, %arg10: memref<1x128xf32, #tpu.memory_space<vmem>>, %arg11: memref<1000x128xf32, #tpu.memory_space<vmem>>, %arg12: memref<1000x128xf32, #tpu.memory_space<vmem>>, %arg13: memref<1x128xf32, #tpu.memory_space<vmem>>, %arg14: memref<1x128xf32, #tpu.memory_space<vmem>>, %arg15: memref<1x128xf32, #tpu.memory_space<vmem>>, %arg16: memref<1x128xf32, #tpu.memory_space<vmem>>) attributes {dimension_semantics = [#tpu.dimension_semantics<arbitrary>], iteration_bounds = array<i64: 10>, scalar_prefetch = 0 : i64, scratch_operands = 0 : i64, tpu.core_type = #tpu.core_type<tc>, window_params = [{transform_indices = @transform_0, window_bounds = array<i64: 1000, 128>}, {transform_indices = @transform_1, window_bounds = array<i64: 1000, 128>}, {transform_indices = @transform_2, window_bounds = array<i64: 1000, 128>}, {transform_indices = @transform_3, window_bounds = array<i64: 1000, 128>}, {pipeline_mode = #tpu.pipeline_mode<synchronous>, transform_indices = @transform_4, window_bounds = array<i64: 128, 128>}, {pipeline_mode = #tpu.pipeline_mode<synchronous>, transform_indices = @transform_5, window_bounds = array<i64: 1, 128>}, {pipeline_mode = #tpu.pipeline_mode<synchronous>, transform_indices = @transform_6, window_bounds = array<i64: 128, 128>}, {pipeline_mode = #tpu.pipeline_mode<synchronous>, transform_indices = @transform_7, window_bounds = array<i64: 1, 128>}, {pipeline_mode = #tpu.pipeline_mode<synchronous>, transform_indices = @transform_8, window_bounds = array<i64: 128, 128>}, {pipeline_mode = #tpu.pipeline_mode<synchronous>, transform_indices = @transform_9, window_bounds = array<i64: 1, 128>}, {transform_indices = @transform_10, window_bounds = array<i64: 1000, 128>}, {transform_indices = @transform_11, window_bounds = array<i64: 1000, 128>}, {pipeline_mode = #tpu.pipeline_mode<synchronous>, transform_indices = @transform_12, window_bounds = array<i64: 1, 128>}, {pipeline_mode = #tpu.pipeline_mode<synchronous>, transform_indices = @transform_13, window_bounds = array<i64: 1, 128>}, {pipeline_mode = #tpu.pipeline_mode<synchronous>, transform_indices = @transform_14, window_bounds = array<i64: 1, 128>}, {pipeline_mode = #tpu.pipeline_mode<synchronous>, transform_indices = @transform_15, window_bounds = array<i64: 1, 128>}]} {
    %get3A = arith.constant 0 : index
    %get3A_0 = arith.constant 0 : index
    %get3A_1 = vector.load %arg1[%get3A, %get3A_0] : memref<1000x128xf32, #tpu.memory_space<vmem>>, vector<1000x128xf32>
    %get3A_2 = arith.constant 0 : index
    %get3A_3 = arith.constant 0 : index
    %get3A_4 = vector.load %arg2[%get3A_2, %get3A_3] : memref<1000x128xf32, #tpu.memory_space<vmem>>, vector<1000x128xf32>
    %add3A = arith.addf %get3A_1, %get3A_4 : vector<1000x128xf32>
    %get3A_5 = arith.constant 0 : index
    %get3A_6 = arith.constant 0 : index
    %get3A_7 = vector.load %arg3[%get3A_5, %get3A_6] : memref<1000x128xf32, #tpu.memory_space<vmem>>, vector<1000x128xf32>
    %add3A_8 = arith.addf %add3A, %get3A_7 : vector<1000x128xf32>
    %get3A_9 = arith.constant 0 : index
    %get3A_10 = arith.constant 0 : index
    %get3A_11 = vector.load %arg5[%get3A_9, %get3A_10] : memref<128x128xf32, #tpu.memory_space<vmem>>, vector<128x128xf32>
    %dot_general3A = arith.constant dense<0.000000e+00> : vector<1000x128xf32>
    %dot_general3A_12 = tpu.matmul %add3A_8, %get3A_11, %dot_general3A {dimension_numbers = #tpu.dot_dimension_numbers<[1], [0], [0], [1], [0, 0, 1, 1], [], []>, transpose_lhs_hint = false} : vector<1000x128xf32>, vector<128x128xf32>, vector<1000x128xf32> -> vector<1000x128xf32>
    %get3A_13 = arith.constant 0 : index
    %get3A_14 = arith.constant 0 : index
    %get3A_15 = vector.load %arg6[%get3A_13, %get3A_14] : memref<1x128xf32, #tpu.memory_space<vmem>>, vector<1x128xf32>
    %add3A_16 = vector.broadcast %get3A_15 : vector<1x128xf32> to vector<1000x128xf32>
    %add3A_17 = arith.addf %dot_general3A_12, %add3A_16 : vector<1000x128xf32>
    %max3A = arith.constant 0.000000e+00 : f32
    %max3A_18 = vector.broadcast %max3A : f32 to vector<1000x128xf32>
    %max3A_19 = arith.maximumf %add3A_17, %max3A_18 : vector<1000x128xf32>
    %get3A_20 = arith.constant 0 : index
    %get3A_21 = arith.constant 0 : index
    %get3A_22 = vector.load %arg7[%get3A_20, %get3A_21] : memref<128x128xf32, #tpu.memory_space<vmem>>, vector<128x128xf32>
    %dot_general3A_23 = arith.constant dense<0.000000e+00> : vector<1000x128xf32>
    %dot_general3A_24 = tpu.matmul %max3A_19, %get3A_22, %dot_general3A_23 {dimension_numbers = #tpu.dot_dimension_numbers<[1], [0], [0], [1], [0, 0, 1, 1], [], []>, transpose_lhs_hint = false} : vector<1000x128xf32>, vector<128x128xf32>, vector<1000x128xf32> -> vector<1000x128xf32>
    %get3A_25 = arith.constant 0 : index
    %get3A_26 = arith.constant 0 : index
    %get3A_27 = vector.load %arg8[%get3A_25, %get3A_26] : memref<1x128xf32, #tpu.memory_space<vmem>>, vector<1x128xf32>
    %add3A_28 = vector.broadcast %get3A_27 : vector<1x128xf32> to vector<1000x128xf32>
    %add3A_29 = arith.addf %dot_general3A_24, %add3A_28 : vector<1000x128xf32>
    %add3A_30 = arith.addf %add3A_29, %get3A_1 : vector<1000x128xf32>
    %get3A_31 = arith.constant 0 : index
    %get3A_32 = arith.constant 0 : index
    %get3A_33 = vector.load %arg4[%get3A_31, %get3A_32] : memref<1000x128xf32, #tpu.memory_space<vmem>>, vector<1000x128xf32>
    %get3A_34 = arith.constant 0 : index
    %get3A_35 = arith.constant 0 : index
    %get3A_36 = vector.load %arg9[%get3A_34, %get3A_35] : memref<128x128xf32, #tpu.memory_space<vmem>>, vector<128x128xf32>
    %dot_general3A_37 = arith.constant dense<0.000000e+00> : vector<1000x128xf32>
    %dot_general3A_38 = tpu.matmul %get3A_33, %get3A_36, %dot_general3A_37 {dimension_numbers = #tpu.dot_dimension_numbers<[1], [0], [0], [1], [0, 0, 1, 1], [], []>, transpose_lhs_hint = false} : vector<1000x128xf32>, vector<128x128xf32>, vector<1000x128xf32> -> vector<1000x128xf32>
    %get3A_39 = arith.constant 0 : index
    %get3A_40 = arith.constant 0 : index
    %get3A_41 = vector.load %arg10[%get3A_39, %get3A_40] : memref<1x128xf32, #tpu.memory_space<vmem>>, vector<1x128xf32>
    %add3A_42 = vector.broadcast %get3A_41 : vector<1x128xf32> to vector<1000x128xf32>
    %add3A_43 = arith.addf %dot_general3A_38, %add3A_42 : vector<1000x128xf32>
    %add3A_44 = arith.addf %add3A_43, %get3A_1 : vector<1000x128xf32>
    %swap3A = arith.constant 0 : index
    %swap3A_45 = arith.constant 0 : index
    %swap3A_46 = vector.load %arg11[%swap3A, %swap3A_45] : memref<1000x128xf32, #tpu.memory_space<vmem>>, vector<1000x128xf32>
    tpu.vector_store %arg11[%swap3A, %swap3A_45], %add3A_30 {strides = array<i32>} : memref<1000x128xf32, #tpu.memory_space<vmem>>, vector<1000x128xf32>,
    %swap3A_47 = arith.constant 0 : index
    %swap3A_48 = arith.constant 0 : index
    %swap3A_49 = vector.load %arg12[%swap3A_47, %swap3A_48] : memref<1000x128xf32, #tpu.memory_space<vmem>>, vector<1000x128xf32>
    tpu.vector_store %arg12[%swap3A_47, %swap3A_48], %add3A_44 {strides = array<i32>} : memref<1000x128xf32, #tpu.memory_space<vmem>>, vector<1000x128xf32>,
    %eq3A = arith.constant 0 : i32
    %eq3A_50 = arith.cmpi eq, %arg0, %eq3A : i32
    %convert_element_type3A = arith.extui %eq3A_50 : i1 to i32
    %cond3A = arith.constant 0 : i32
    %cond3A_51 = arith.cmpi ne, %convert_element_type3A, %cond3A : i32
    scf.if %cond3A_51 {
      %broadcast_in_dim3A_91 = arith.constant 0.000000e+00 : f32
      %broadcast_in_dim3A_92 = vector.broadcast %broadcast_in_dim3A_91 : f32 to vector<1x128xf32>
      %swap3A_93 = arith.constant 0 : index
      %swap3A_94 = arith.constant 0 : index
      %swap3A_95 = vector.load %arg13[%swap3A_93, %swap3A_94] : memref<1x128xf32, #tpu.memory_space<vmem>>, vector<1x128xf32>
      tpu.vector_store %arg13[%swap3A_93, %swap3A_94], %broadcast_in_dim3A_92 {strides = array<i32>} : memref<1x128xf32, #tpu.memory_space<vmem>>, vector<1x128xf32>,
      %broadcast_in_dim3A_96 = arith.constant 0.000000e+00 : f32
      %broadcast_in_dim3A_97 = vector.broadcast %broadcast_in_dim3A_96 : f32 to vector<1x128xf32>
      %swap3A_98 = arith.constant 0 : index
      %swap3A_99 = arith.constant 0 : index
      %swap3A_100 = vector.load %arg14[%swap3A_98, %swap3A_99] : memref<1x128xf32, #tpu.memory_space<vmem>>, vector<1x128xf32>
      tpu.vector_store %arg14[%swap3A_98, %swap3A_99], %broadcast_in_dim3A_97 {strides = array<i32>} : memref<1x128xf32, #tpu.memory_space<vmem>>, vector<1x128xf32>,
      %broadcast_in_dim3A_101 = arith.constant 0.000000e+00 : f32
      %broadcast_in_dim3A_102 = vector.broadcast %broadcast_in_dim3A_101 : f32 to vector<1x128xf32>
      %swap3A_103 = arith.constant 0 : index
      %swap3A_104 = arith.constant 0 : index
      %swap3A_105 = vector.load %arg15[%swap3A_103, %swap3A_104] : memref<1x128xf32, #tpu.memory_space<vmem>>, vector<1x128xf32>
      tpu.vector_store %arg15[%swap3A_103, %swap3A_104], %broadcast_in_dim3A_102 {strides = array<i32>} : memref<1x128xf32, #tpu.memory_space<vmem>>, vector<1x128xf32>,
      %broadcast_in_dim3A_106 = arith.constant 0.000000e+00 : f32
      %broadcast_in_dim3A_107 = vector.broadcast %broadcast_in_dim3A_106 : f32 to vector<1x128xf32>
      %swap3A_108 = arith.constant 0 : index
      %swap3A_109 = arith.constant 0 : index
      %swap3A_110 = vector.load %arg16[%swap3A_108, %swap3A_109] : memref<1x128xf32, #tpu.memory_space<vmem>>, vector<1x128xf32>
      tpu.vector_store %arg16[%swap3A_108, %swap3A_109], %broadcast_in_dim3A_107 {strides = array<i32>} : memref<1x128xf32, #tpu.memory_space<vmem>>, vector<1x128xf32>,
    } else {
    }
    %get3A_52 = arith.constant 0 : index
    %get3A_53 = arith.constant 0 : index
    %get3A_54 = vector.load %arg13[%get3A_52, %get3A_53] : memref<1x128xf32, #tpu.memory_space<vmem>>, vector<1x128xf32>
    %reduce_sum3A = arith.constant dense<0.000000e+00> : vector<128xf32>
    %reduce_sum3A_55 = vector.multi_reduction <add>, %add3A_30, %reduce_sum3A [0] : vector<1000x128xf32> to vector<128xf32>
    %broadcast_in_dim3A = vector.shape_cast %reduce_sum3A_55 : vector<128xf32> to vector<1x128xf32>
    %add3A_56 = arith.addf %get3A_54, %broadcast_in_dim3A : vector<1x128xf32>
    %swap3A_57 = arith.constant 0 : index
    %swap3A_58 = arith.constant 0 : index
    %swap3A_59 = vector.load %arg13[%swap3A_57, %swap3A_58] : memref<1x128xf32, #tpu.memory_space<vmem>>, vector<1x128xf32>
    tpu.vector_store %arg13[%swap3A_57, %swap3A_58], %add3A_56 {strides = array<i32>} : memref<1x128xf32, #tpu.memory_space<vmem>>, vector<1x128xf32>,
    %get3A_60 = arith.constant 0 : index
    %get3A_61 = arith.constant 0 : index
    %get3A_62 = vector.load %arg14[%get3A_60, %get3A_61] : memref<1x128xf32, #tpu.memory_space<vmem>>, vector<1x128xf32>
    %mul3A = arith.mulf %add3A_30, %add3A_30 : vector<1000x128xf32>
    %reduce_sum3A_63 = arith.constant dense<0.000000e+00> : vector<128xf32>
    %reduce_sum3A_64 = vector.multi_reduction <add>, %mul3A, %reduce_sum3A_63 [0] : vector<1000x128xf32> to vector<128xf32>
    %broadcast_in_dim3A_65 = vector.shape_cast %reduce_sum3A_64 : vector<128xf32> to vector<1x128xf32>
    %add3A_66 = arith.addf %get3A_62, %broadcast_in_dim3A_65 : vector<1x128xf32>
    %swap3A_67 = arith.constant 0 : index
    %swap3A_68 = arith.constant 0 : index
    %swap3A_69 = vector.load %arg14[%swap3A_67, %swap3A_68] : memref<1x128xf32, #tpu.memory_space<vmem>>, vector<1x128xf32>
    tpu.vector_store %arg14[%swap3A_67, %swap3A_68], %add3A_66 {strides = array<i32>} : memref<1x128xf32, #tpu.memory_space<vmem>>, vector<1x128xf32>,
    %get3A_70 = arith.constant 0 : index
    %get3A_71 = arith.constant 0 : index
    %get3A_72 = vector.load %arg15[%get3A_70, %get3A_71] : memref<1x128xf32, #tpu.memory_space<vmem>>, vector<1x128xf32>
    %reduce_sum3A_73 = arith.constant dense<0.000000e+00> : vector<128xf32>
    %reduce_sum3A_74 = vector.multi_reduction <add>, %add3A_44, %reduce_sum3A_73 [0] : vector<1000x128xf32> to vector<128xf32>
    %broadcast_in_dim3A_75 = vector.shape_cast %reduce_sum3A_74 : vector<128xf32> to vector<1x128xf32>
    %add3A_76 = arith.addf %get3A_72, %broadcast_in_dim3A_75 : vector<1x128xf32>
    %swap3A_77 = arith.constant 0 : index
    %swap3A_78 = arith.constant 0 : index
    %swap3A_79 = vector.load %arg15[%swap3A_77, %swap3A_78] : memref<1x128xf32, #tpu.memory_space<vmem>>, vector<1x128xf32>
    tpu.vector_store %arg15[%swap3A_77, %swap3A_78], %add3A_76 {strides = array<i32>} : memref<1x128xf32, #tpu.memory_space<vmem>>, vector<1x128xf32>,
    %get3A_80 = arith.constant 0 : index
    %get3A_81 = arith.constant 0 : index
    %get3A_82 = vector.load %arg16[%get3A_80, %get3A_81] : memref<1x128xf32, #tpu.memory_space<vmem>>, vector<1x128xf32>
    %mul3A_83 = arith.mulf %add3A_44, %add3A_44 : vector<1000x128xf32>
    %reduce_sum3A_84 = arith.constant dense<0.000000e+00> : vector<128xf32>
    %reduce_sum3A_85 = vector.multi_reduction <add>, %mul3A_83, %reduce_sum3A_84 [0] : vector<1000x128xf32> to vector<128xf32>
    %broadcast_in_dim3A_86 = vector.shape_cast %reduce_sum3A_85 : vector<128xf32> to vector<1x128xf32>
    %add3A_87 = arith.addf %get3A_82, %broadcast_in_dim3A_86 : vector<1x128xf32>
    %swap3A_88 = arith.constant 0 : index
    %swap3A_89 = arith.constant 0 : index
    %swap3A_90 = vector.load %arg16[%swap3A_88, %swap3A_89] : memref<1x128xf32, #tpu.memory_space<vmem>>, vector<1x128xf32>
    tpu.vector_store %arg16[%swap3A_88, %swap3A_89], %add3A_87 {strides = array<i32>} : memref<1x128xf32, #tpu.memory_space<vmem>>, vector<1x128xf32>,
    return
  }
  func.func @transform_0(%arg0: i32) -> (i32, i32) {
    %c0_i32 = arith.constant 0 : i32
    %c0_i32_0 = arith.constant 0 : i32
    return %arg0, %c0_i32 : i32, i32
  }
  func.func @transform_1(%arg0: i32) -> (i32, i32) {
    %c0_i32 = arith.constant 0 : i32
    %c0_i32_0 = arith.constant 0 : i32
    return %arg0, %c0_i32 : i32, i32
  }
  func.func @transform_2(%arg0: i32) -> (i32, i32) {
    %c0_i32 = arith.constant 0 : i32
    %c0_i32_0 = arith.constant 0 : i32
    return %arg0, %c0_i32 : i32, i32
  }
  func.func @transform_3(%arg0: i32) -> (i32, i32) {
    %c0_i32 = arith.constant 0 : i32
    %c0_i32_0 = arith.constant 0 : i32
    return %arg0, %c0_i32 : i32, i32
  }
  func.func @transform_4(%arg0: i32) -> (i32, i32) {
    %c0_i32 = arith.constant 0 : i32
    %c0_i32_0 = arith.constant 0 : i32
    %c0_i32_1 = arith.constant 0 : i32
    return %c0_i32, %c0_i32_0 : i32, i32
  }
  func.func @transform_5(%arg0: i32) -> (i32, i32) {
    %c0_i32 = arith.constant 0 : i32
    %c0_i32_0 = arith.constant 0 : i32
    %c0_i32_1 = arith.constant 0 : i32
    return %c0_i32, %c0_i32_0 : i32, i32
  }
  func.func @transform_6(%arg0: i32) -> (i32, i32) {
    %c0_i32 = arith.constant 0 : i32
    %c0_i32_0 = arith.constant 0 : i32
    %c0_i32_1 = arith.constant 0 : i32
    return %c0_i32, %c0_i32_0 : i32, i32
  }
  func.func @transform_7(%arg0: i32) -> (i32, i32) {
    %c0_i32 = arith.constant 0 : i32
    %c0_i32_0 = arith.constant 0 : i32
    %c0_i32_1 = arith.constant 0 : i32
    return %c0_i32, %c0_i32_0 : i32, i32
  }
  func.func @transform_8(%arg0: i32) -> (i32, i32) {
    %c0_i32 = arith.constant 0 : i32
    %c0_i32_0 = arith.constant 0 : i32
    %c0_i32_1 = arith.constant 0 : i32
    return %c0_i32, %c0_i32_0 : i32, i32
  }
  func.func @transform_9(%arg0: i32) -> (i32, i32) {
    %c0_i32 = arith.constant 0 : i32
    %c0_i32_0 = arith.constant 0 : i32
    %c0_i32_1 = arith.constant 0 : i32
    return %c0_i32, %c0_i32_0 : i32, i32
  }
  func.func @transform_10(%arg0: i32) -> (i32, i32) {
    %c0_i32 = arith.constant 0 : i32
    %c0_i32_0 = arith.constant 0 : i32
    return %arg0, %c0_i32 : i32, i32
  }
  func.func @transform_11(%arg0: i32) -> (i32, i32) {
    %c0_i32 = arith.constant 0 : i32
    %c0_i32_0 = arith.constant 0 : i32
    return %arg0, %c0_i32 : i32, i32
  }
  func.func @transform_12(%arg0: i32) -> (i32, i32) {
    %c0_i32 = arith.constant 0 : i32
    %c0_i32_0 = arith.constant 0 : i32
    %c0_i32_1 = arith.constant 0 : i32
    return %c0_i32, %c0_i32_0 : i32, i32
  }
  func.func @transform_13(%arg0: i32) -> (i32, i32) {
    %c0_i32 = arith.constant 0 : i32
    %c0_i32_0 = arith.constant 0 : i32
    %c0_i32_1 = arith.constant 0 : i32
    return %c0_i32, %c0_i32_0 : i32, i32
  }
  func.func @transform_14(%arg0: i32) -> (i32, i32) {
    %c0_i32 = arith.constant 0 : i32
    %c0_i32_0 = arith.constant 0 : i32
    %c0_i32_1 = arith.constant 0 : i32
    return %c0_i32, %c0_i32_0 : i32, i32
  }
  func.func @transform_15(%arg0: i32) -> (i32, i32) {
    %c0_i32 = arith.constant 0 : i32
    %c0_i32_0 = arith.constant 0 : i32
    %c0_i32_1 = arith.constant 0 : i32
    return %c0_i32, %c0_i32_0 : i32, i32
  }
}

module attributes {stable_mosaic.version = 14 : i64} {
  func.func @_k4_body(%arg0: i32, %arg1: memref<1000x128xf32, #tpu.memory_space<vmem>>, %arg2: memref<1000x128xf32, #tpu.memory_space<vmem>>, %arg3: memref<1x128xf32, #tpu.memory_space<vmem>>, %arg4: memref<1x128xf32, #tpu.memory_space<vmem>>, %arg5: memref<1x128xf32, #tpu.memory_space<vmem>>, %arg6: memref<1x128xf32, #tpu.memory_space<vmem>>, %arg7: memref<1x128xf32, #tpu.memory_space<vmem>>, %arg8: memref<1x128xf32, #tpu.memory_space<vmem>>, %arg9: memref<1x128xf32, #tpu.memory_space<vmem>>, %arg10: memref<1x128xf32, #tpu.memory_space<vmem>>, %arg11: memref<128x256xf32, #tpu.memory_space<vmem>>, %arg12: memref<1x256xf32, #tpu.memory_space<vmem>>, %arg13: memref<256x128xf32, #tpu.memory_space<vmem>>, %arg14: memref<1x128xf32, #tpu.memory_space<vmem>>, %arg15: memref<1000x128xf32, #tpu.memory_space<vmem>>, %arg16: memref<1x128xf32, #tpu.memory_space<vmem>>, %arg17: memref<1x128xf32, #tpu.memory_space<vmem>>) attributes {dimension_semantics = [#tpu.dimension_semantics<arbitrary>], iteration_bounds = array<i64: 10>, scalar_prefetch = 0 : i64, scratch_operands = 0 : i64, tpu.core_type = #tpu.core_type<tc>, window_params = [{transform_indices = @transform_0, window_bounds = array<i64: 1000, 128>}, {transform_indices = @transform_1, window_bounds = array<i64: 1000, 128>}, {pipeline_mode = #tpu.pipeline_mode<synchronous>, transform_indices = @transform_2, window_bounds = array<i64: 1, 128>}, {pipeline_mode = #tpu.pipeline_mode<synchronous>, transform_indices = @transform_3, window_bounds = array<i64: 1, 128>}, {pipeline_mode = #tpu.pipeline_mode<synchronous>, transform_indices = @transform_4, window_bounds = array<i64: 1, 128>}, {pipeline_mode = #tpu.pipeline_mode<synchronous>, transform_indices = @transform_5, window_bounds = array<i64: 1, 128>}, {pipeline_mode = #tpu.pipeline_mode<synchronous>, transform_indices = @transform_6, window_bounds = array<i64: 1, 128>}, {pipeline_mode = #tpu.pipeline_mode<synchronous>, transform_indices = @transform_7, window_bounds = array<i64: 1, 128>}, {pipeline_mode = #tpu.pipeline_mode<synchronous>, transform_indices = @transform_8, window_bounds = array<i64: 1, 128>}, {pipeline_mode = #tpu.pipeline_mode<synchronous>, transform_indices = @transform_9, window_bounds = array<i64: 1, 128>}, {pipeline_mode = #tpu.pipeline_mode<synchronous>, transform_indices = @transform_10, window_bounds = array<i64: 128, 256>}, {pipeline_mode = #tpu.pipeline_mode<synchronous>, transform_indices = @transform_11, window_bounds = array<i64: 1, 256>}, {pipeline_mode = #tpu.pipeline_mode<synchronous>, transform_indices = @transform_12, window_bounds = array<i64: 256, 128>}, {pipeline_mode = #tpu.pipeline_mode<synchronous>, transform_indices = @transform_13, window_bounds = array<i64: 1, 128>}, {transform_indices = @transform_14, window_bounds = array<i64: 1000, 128>}, {pipeline_mode = #tpu.pipeline_mode<synchronous>, transform_indices = @transform_15, window_bounds = array<i64: 1, 128>}, {pipeline_mode = #tpu.pipeline_mode<synchronous>, transform_indices = @transform_16, window_bounds = array<i64: 1, 128>}]} {
    %get3A = arith.constant 0 : index
    %get3A_0 = arith.constant 0 : index
    %get3A_1 = vector.load %arg3[%get3A, %get3A_0] : memref<1x128xf32, #tpu.memory_space<vmem>>, vector<1x128xf32>
    %mul3A = arith.constant 9.99999974E-5 : f32
    %mul3A_2 = vector.broadcast %mul3A : f32 to vector<1x128xf32>
    %mul3A_3 = arith.mulf %get3A_1, %mul3A_2 : vector<1x128xf32>
    %get3A_4 = arith.constant 0 : index
    %get3A_5 = arith.constant 0 : index
    %get3A_6 = vector.load %arg4[%get3A_4, %get3A_5] : memref<1x128xf32, #tpu.memory_space<vmem>>, vector<1x128xf32>
    %mul3A_7 = arith.constant 9.99999974E-5 : f32
    %mul3A_8 = vector.broadcast %mul3A_7 : f32 to vector<1x128xf32>
    %mul3A_9 = arith.mulf %get3A_6, %mul3A_8 : vector<1x128xf32>
    %mul3A_10 = arith.mulf %mul3A_3, %mul3A_3 : vector<1x128xf32>
    %sub3A = arith.subf %mul3A_9, %mul3A_10 : vector<1x128xf32>
    %get3A_11 = arith.constant 0 : index
    %get3A_12 = arith.constant 0 : index
    %get3A_13 = vector.load %arg7[%get3A_11, %get3A_12] : memref<1x128xf32, #tpu.memory_space<vmem>>, vector<1x128xf32>
    %add3A = arith.constant 9.99999974E-6 : f32
    %add3A_14 = vector.broadcast %add3A : f32 to vector<1x128xf32>
    %add3A_15 = arith.addf %sub3A, %add3A_14 : vector<1x128xf32>
    %rsqrt3A = math.rsqrt %add3A_15 : vector<1x128xf32>
    %mul3A_16 = arith.mulf %get3A_13, %rsqrt3A : vector<1x128xf32>
    %get3A_17 = arith.constant 0 : index
    %get3A_18 = arith.constant 0 : index
    %get3A_19 = vector.load %arg8[%get3A_17, %get3A_18] : memref<1x128xf32, #tpu.memory_space<vmem>>, vector<1x128xf32>
    %mul3A_20 = arith.mulf %mul3A_3, %mul3A_16 : vector<1x128xf32>
    %sub3A_21 = arith.subf %get3A_19, %mul3A_20 : vector<1x128xf32>
    %get3A_22 = arith.constant 0 : index
    %get3A_23 = arith.constant 0 : index
    %get3A_24 = vector.load %arg5[%get3A_22, %get3A_23] : memref<1x128xf32, #tpu.memory_space<vmem>>, vector<1x128xf32>
    %mul3A_25 = arith.constant 9.99999974E-5 : f32
    %mul3A_26 = vector.broadcast %mul3A_25 : f32 to vector<1x128xf32>
    %mul3A_27 = arith.mulf %get3A_24, %mul3A_26 : vector<1x128xf32>
    %get3A_28 = arith.constant 0 : index
    %get3A_29 = arith.constant 0 : index
    %get3A_30 = vector.load %arg6[%get3A_28, %get3A_29] : memref<1x128xf32, #tpu.memory_space<vmem>>, vector<1x128xf32>
    %mul3A_31 = arith.constant 9.99999974E-5 : f32
    %mul3A_32 = vector.broadcast %mul3A_31 : f32 to vector<1x128xf32>
    %mul3A_33 = arith.mulf %get3A_30, %mul3A_32 : vector<1x128xf32>
    %mul3A_34 = arith.mulf %mul3A_27, %mul3A_27 : vector<1x128xf32>
    %sub3A_35 = arith.subf %mul3A_33, %mul3A_34 : vector<1x128xf32>
    %get3A_36 = arith.constant 0 : index
    %get3A_37 = arith.constant 0 : index
    %get3A_38 = vector.load %arg9[%get3A_36, %get3A_37] : memref<1x128xf32, #tpu.memory_space<vmem>>, vector<1x128xf32>
    %add3A_39 = arith.constant 9.99999974E-6 : f32
    %add3A_40 = vector.broadcast %add3A_39 : f32 to vector<1x128xf32>
    %add3A_41 = arith.addf %sub3A_35, %add3A_40 : vector<1x128xf32>
    %rsqrt3A_42 = math.rsqrt %add3A_41 : vector<1x128xf32>
    %mul3A_43 = arith.mulf %get3A_38, %rsqrt3A_42 : vector<1x128xf32>
    %get3A_44 = arith.constant 0 : index
    %get3A_45 = arith.constant 0 : index
    %get3A_46 = vector.load %arg10[%get3A_44, %get3A_45] : memref<1x128xf32, #tpu.memory_space<vmem>>, vector<1x128xf32>
    %mul3A_47 = arith.mulf %mul3A_27, %mul3A_43 : vector<1x128xf32>
    %sub3A_48 = arith.subf %get3A_46, %mul3A_47 : vector<1x128xf32>
    %get3A_49 = arith.constant 0 : index
    %get3A_50 = arith.constant 0 : index
    %get3A_51 = vector.load %arg1[%get3A_49, %get3A_50] : memref<1000x128xf32, #tpu.memory_space<vmem>>, vector<1000x128xf32>
    %mul3A_52 = vector.broadcast %mul3A_16 : vector<1x128xf32> to vector<1000x128xf32>
    %mul3A_53 = arith.mulf %get3A_51, %mul3A_52 : vector<1000x128xf32>
    %add3A_54 = vector.broadcast %sub3A_21 : vector<1x128xf32> to vector<1000x128xf32>
    %add3A_55 = arith.addf %mul3A_53, %add3A_54 : vector<1000x128xf32>
    %get3A_56 = arith.constant 0 : index
    %get3A_57 = arith.constant 0 : index
    %get3A_58 = vector.load %arg2[%get3A_56, %get3A_57] : memref<1000x128xf32, #tpu.memory_space<vmem>>, vector<1000x128xf32>
    %mul3A_59 = vector.broadcast %mul3A_43 : vector<1x128xf32> to vector<1000x128xf32>
    %mul3A_60 = arith.mulf %get3A_58, %mul3A_59 : vector<1000x128xf32>
    %add3A_61 = arith.addf %add3A_55, %mul3A_60 : vector<1000x128xf32>
    %add3A_62 = vector.broadcast %sub3A_48 : vector<1x128xf32> to vector<1000x128xf32>
    %add3A_63 = arith.addf %add3A_61, %add3A_62 : vector<1000x128xf32>
    %get3A_64 = arith.constant 0 : index
    %get3A_65 = arith.constant 0 : index
    %get3A_66 = vector.load %arg11[%get3A_64, %get3A_65] : memref<128x256xf32, #tpu.memory_space<vmem>>, vector<128x256xf32>
    %dot_general3A = arith.constant dense<0.000000e+00> : vector<1000x256xf32>
    %dot_general3A_67 = tpu.matmul %add3A_63, %get3A_66, %dot_general3A {dimension_numbers = #tpu.dot_dimension_numbers<[1], [0], [0], [1], [0, 0, 1, 1], [], []>, transpose_lhs_hint = false} : vector<1000x128xf32>, vector<128x256xf32>, vector<1000x256xf32> -> vector<1000x256xf32>
    %get3A_68 = arith.constant 0 : index
    %get3A_69 = arith.constant 0 : index
    %get3A_70 = vector.load %arg12[%get3A_68, %get3A_69] : memref<1x256xf32, #tpu.memory_space<vmem>>, vector<1x256xf32>
    %add3A_71 = vector.broadcast %get3A_70 : vector<1x256xf32> to vector<1000x256xf32>
    %add3A_72 = arith.addf %dot_general3A_67, %add3A_71 : vector<1000x256xf32>
    %max3A = arith.constant 0.000000e+00 : f32
    %max3A_73 = vector.broadcast %max3A : f32 to vector<1000x256xf32>
    %max3A_74 = arith.maximumf %add3A_72, %max3A_73 : vector<1000x256xf32>
    %get3A_75 = arith.constant 0 : index
    %get3A_76 = arith.constant 0 : index
    %get3A_77 = vector.load %arg13[%get3A_75, %get3A_76] : memref<256x128xf32, #tpu.memory_space<vmem>>, vector<256x128xf32>
    %dot_general3A_78 = arith.constant dense<0.000000e+00> : vector<1000x128xf32>
    %dot_general3A_79 = tpu.matmul %max3A_74, %get3A_77, %dot_general3A_78 {dimension_numbers = #tpu.dot_dimension_numbers<[1], [0], [0], [1], [0, 0, 1, 1], [], []>, transpose_lhs_hint = false} : vector<1000x256xf32>, vector<256x128xf32>, vector<1000x128xf32> -> vector<1000x128xf32>
    %add3A_80 = arith.addf %add3A_63, %dot_general3A_79 : vector<1000x128xf32>
    %get3A_81 = arith.constant 0 : index
    %get3A_82 = arith.constant 0 : index
    %get3A_83 = vector.load %arg14[%get3A_81, %get3A_82] : memref<1x128xf32, #tpu.memory_space<vmem>>, vector<1x128xf32>
    %add3A_84 = vector.broadcast %get3A_83 : vector<1x128xf32> to vector<1000x128xf32>
    %add3A_85 = arith.addf %add3A_80, %add3A_84 : vector<1000x128xf32>
    %swap3A = arith.constant 0 : index
    %swap3A_86 = arith.constant 0 : index
    %swap3A_87 = vector.load %arg15[%swap3A, %swap3A_86] : memref<1000x128xf32, #tpu.memory_space<vmem>>, vector<1000x128xf32>
    tpu.vector_store %arg15[%swap3A, %swap3A_86], %add3A_85 {strides = array<i32>} : memref<1000x128xf32, #tpu.memory_space<vmem>>, vector<1000x128xf32>,
    %eq3A = arith.constant 0 : i32
    %eq3A_88 = arith.cmpi eq, %arg0, %eq3A : i32
    %convert_element_type3A = arith.extui %eq3A_88 : i1 to i32
    %cond3A = arith.constant 0 : i32
    %cond3A_89 = arith.cmpi ne, %convert_element_type3A, %cond3A : i32
    scf.if %cond3A_89 {
      %broadcast_in_dim3A_109 = arith.constant 0.000000e+00 : f32
      %broadcast_in_dim3A_110 = vector.broadcast %broadcast_in_dim3A_109 : f32 to vector<1x128xf32>
      %swap3A_111 = arith.constant 0 : index
      %swap3A_112 = arith.constant 0 : index
      %swap3A_113 = vector.load %arg16[%swap3A_111, %swap3A_112] : memref<1x128xf32, #tpu.memory_space<vmem>>, vector<1x128xf32>
      tpu.vector_store %arg16[%swap3A_111, %swap3A_112], %broadcast_in_dim3A_110 {strides = array<i32>} : memref<1x128xf32, #tpu.memory_space<vmem>>, vector<1x128xf32>,
      %broadcast_in_dim3A_114 = arith.constant 0.000000e+00 : f32
      %broadcast_in_dim3A_115 = vector.broadcast %broadcast_in_dim3A_114 : f32 to vector<1x128xf32>
      %swap3A_116 = arith.constant 0 : index
      %swap3A_117 = arith.constant 0 : index
      %swap3A_118 = vector.load %arg17[%swap3A_116, %swap3A_117] : memref<1x128xf32, #tpu.memory_space<vmem>>, vector<1x128xf32>
      tpu.vector_store %arg17[%swap3A_116, %swap3A_117], %broadcast_in_dim3A_115 {strides = array<i32>} : memref<1x128xf32, #tpu.memory_space<vmem>>, vector<1x128xf32>,
    } else {
    }
    %get3A_90 = arith.constant 0 : index
    %get3A_91 = arith.constant 0 : index
    %get3A_92 = vector.load %arg16[%get3A_90, %get3A_91] : memref<1x128xf32, #tpu.memory_space<vmem>>, vector<1x128xf32>
    %reduce_sum3A = arith.constant dense<0.000000e+00> : vector<128xf32>
    %reduce_sum3A_93 = vector.multi_reduction <add>, %add3A_85, %reduce_sum3A [0] : vector<1000x128xf32> to vector<128xf32>
    %broadcast_in_dim3A = vector.shape_cast %reduce_sum3A_93 : vector<128xf32> to vector<1x128xf32>
    %add3A_94 = arith.addf %get3A_92, %broadcast_in_dim3A : vector<1x128xf32>
    %swap3A_95 = arith.constant 0 : index
    %swap3A_96 = arith.constant 0 : index
    %swap3A_97 = vector.load %arg16[%swap3A_95, %swap3A_96] : memref<1x128xf32, #tpu.memory_space<vmem>>, vector<1x128xf32>
    tpu.vector_store %arg16[%swap3A_95, %swap3A_96], %add3A_94 {strides = array<i32>} : memref<1x128xf32, #tpu.memory_space<vmem>>, vector<1x128xf32>,
    %get3A_98 = arith.constant 0 : index
    %get3A_99 = arith.constant 0 : index
    %get3A_100 = vector.load %arg17[%get3A_98, %get3A_99] : memref<1x128xf32, #tpu.memory_space<vmem>>, vector<1x128xf32>
    %mul3A_101 = arith.mulf %add3A_85, %add3A_85 : vector<1000x128xf32>
    %reduce_sum3A_102 = arith.constant dense<0.000000e+00> : vector<128xf32>
    %reduce_sum3A_103 = vector.multi_reduction <add>, %mul3A_101, %reduce_sum3A_102 [0] : vector<1000x128xf32> to vector<128xf32>
    %broadcast_in_dim3A_104 = vector.shape_cast %reduce_sum3A_103 : vector<128xf32> to vector<1x128xf32>
    %add3A_105 = arith.addf %get3A_100, %broadcast_in_dim3A_104 : vector<1x128xf32>
    %swap3A_106 = arith.constant 0 : index
    %swap3A_107 = arith.constant 0 : index
    %swap3A_108 = vector.load %arg17[%swap3A_106, %swap3A_107] : memref<1x128xf32, #tpu.memory_space<vmem>>, vector<1x128xf32>
    tpu.vector_store %arg17[%swap3A_106, %swap3A_107], %add3A_105 {strides = array<i32>} : memref<1x128xf32, #tpu.memory_space<vmem>>, vector<1x128xf32>,
    return
  }
  func.func @transform_0(%arg0: i32) -> (i32, i32) {
    %c0_i32 = arith.constant 0 : i32
    %c0_i32_0 = arith.constant 0 : i32
    return %arg0, %c0_i32 : i32, i32
  }
  func.func @transform_1(%arg0: i32) -> (i32, i32) {
    %c0_i32 = arith.constant 0 : i32
    %c0_i32_0 = arith.constant 0 : i32
    return %arg0, %c0_i32 : i32, i32
  }
  func.func @transform_2(%arg0: i32) -> (i32, i32) {
    %c0_i32 = arith.constant 0 : i32
    %c0_i32_0 = arith.constant 0 : i32
    %c0_i32_1 = arith.constant 0 : i32
    return %c0_i32, %c0_i32_0 : i32, i32
  }
  func.func @transform_3(%arg0: i32) -> (i32, i32) {
    %c0_i32 = arith.constant 0 : i32
    %c0_i32_0 = arith.constant 0 : i32
    %c0_i32_1 = arith.constant 0 : i32
    return %c0_i32, %c0_i32_0 : i32, i32
  }
  func.func @transform_4(%arg0: i32) -> (i32, i32) {
    %c0_i32 = arith.constant 0 : i32
    %c0_i32_0 = arith.constant 0 : i32
    %c0_i32_1 = arith.constant 0 : i32
    return %c0_i32, %c0_i32_0 : i32, i32
  }
  func.func @transform_5(%arg0: i32) -> (i32, i32) {
    %c0_i32 = arith.constant 0 : i32
    %c0_i32_0 = arith.constant 0 : i32
    %c0_i32_1 = arith.constant 0 : i32
    return %c0_i32, %c0_i32_0 : i32, i32
  }
  func.func @transform_6(%arg0: i32) -> (i32, i32) {
    %c0_i32 = arith.constant 0 : i32
    %c0_i32_0 = arith.constant 0 : i32
    %c0_i32_1 = arith.constant 0 : i32
    return %c0_i32, %c0_i32_0 : i32, i32
  }
  func.func @transform_7(%arg0: i32) -> (i32, i32) {
    %c0_i32 = arith.constant 0 : i32
    %c0_i32_0 = arith.constant 0 : i32
    %c0_i32_1 = arith.constant 0 : i32
    return %c0_i32, %c0_i32_0 : i32, i32
  }
  func.func @transform_8(%arg0: i32) -> (i32, i32) {
    %c0_i32 = arith.constant 0 : i32
    %c0_i32_0 = arith.constant 0 : i32
    %c0_i32_1 = arith.constant 0 : i32
    return %c0_i32, %c0_i32_0 : i32, i32
  }
  func.func @transform_9(%arg0: i32) -> (i32, i32) {
    %c0_i32 = arith.constant 0 : i32
    %c0_i32_0 = arith.constant 0 : i32
    %c0_i32_1 = arith.constant 0 : i32
    return %c0_i32, %c0_i32_0 : i32, i32
  }
  func.func @transform_10(%arg0: i32) -> (i32, i32) {
    %c0_i32 = arith.constant 0 : i32
    %c0_i32_0 = arith.constant 0 : i32
    %c0_i32_1 = arith.constant 0 : i32
    return %c0_i32, %c0_i32_0 : i32, i32
  }
  func.func @transform_11(%arg0: i32) -> (i32, i32) {
    %c0_i32 = arith.constant 0 : i32
    %c0_i32_0 = arith.constant 0 : i32
    %c0_i32_1 = arith.constant 0 : i32
    return %c0_i32, %c0_i32_0 : i32, i32
  }
  func.func @transform_12(%arg0: i32) -> (i32, i32) {
    %c0_i32 = arith.constant 0 : i32
    %c0_i32_0 = arith.constant 0 : i32
    %c0_i32_1 = arith.constant 0 : i32
    return %c0_i32, %c0_i32_0 : i32, i32
  }
  func.func @transform_13(%arg0: i32) -> (i32, i32) {
    %c0_i32 = arith.constant 0 : i32
    %c0_i32_0 = arith.constant 0 : i32
    %c0_i32_1 = arith.constant 0 : i32
    return %c0_i32, %c0_i32_0 : i32, i32
  }
  func.func @transform_14(%arg0: i32) -> (i32, i32) {
    %c0_i32 = arith.constant 0 : i32
    %c0_i32_0 = arith.constant 0 : i32
    return %arg0, %c0_i32 : i32, i32
  }
  func.func @transform_15(%arg0: i32) -> (i32, i32) {
    %c0_i32 = arith.constant 0 : i32
    %c0_i32_0 = arith.constant 0 : i32
    %c0_i32_1 = arith.constant 0 : i32
    return %c0_i32, %c0_i32_0 : i32, i32
  }
  func.func @transform_16(%arg0: i32) -> (i32, i32) {
    %c0_i32 = arith.constant 0 : i32
    %c0_i32_0 = arith.constant 0 : i32
    %c0_i32_1 = arith.constant 0 : i32
    return %c0_i32, %c0_i32_0 : i32, i32
  }
}

module attributes {stable_mosaic.version = 14 : i64} {
  func.func @_k5_body(%arg0: i32, %arg1: memref<1000x128xf32, #tpu.memory_space<vmem>>, %arg2: memref<1x128xf32, #tpu.memory_space<vmem>>, %arg3: memref<1x128xf32, #tpu.memory_space<vmem>>, %arg4: memref<1x128xf32, #tpu.memory_space<vmem>>, %arg5: memref<1x128xf32, #tpu.memory_space<vmem>>, %arg6: memref<1000x128xf32, #tpu.memory_space<vmem>>, %arg7: memref<1x128xf32, #tpu.memory_space<vmem>>, %arg8: memref<1x128xf32, #tpu.memory_space<vmem>>) attributes {dimension_semantics = [#tpu.dimension_semantics<arbitrary>], iteration_bounds = array<i64: 10>, scalar_prefetch = 0 : i64, scratch_operands = 0 : i64, tpu.core_type = #tpu.core_type<tc>, window_params = [{transform_indices = @transform_0, window_bounds = array<i64: 1000, 128>}, {pipeline_mode = #tpu.pipeline_mode<synchronous>, transform_indices = @transform_1, window_bounds = array<i64: 1, 128>}, {pipeline_mode = #tpu.pipeline_mode<synchronous>, transform_indices = @transform_2, window_bounds = array<i64: 1, 128>}, {pipeline_mode = #tpu.pipeline_mode<synchronous>, transform_indices = @transform_3, window_bounds = array<i64: 1, 128>}, {pipeline_mode = #tpu.pipeline_mode<synchronous>, transform_indices = @transform_4, window_bounds = array<i64: 1, 128>}, {transform_indices = @transform_5, window_bounds = array<i64: 1000, 128>}, {pipeline_mode = #tpu.pipeline_mode<synchronous>, transform_indices = @transform_6, window_bounds = array<i64: 1, 128>}, {pipeline_mode = #tpu.pipeline_mode<synchronous>, transform_indices = @transform_7, window_bounds = array<i64: 1, 128>}]} {
    %get3A = arith.constant 0 : index
    %get3A_0 = arith.constant 0 : index
    %get3A_1 = vector.load %arg2[%get3A, %get3A_0] : memref<1x128xf32, #tpu.memory_space<vmem>>, vector<1x128xf32>
    %mul3A = arith.constant 9.99999974E-5 : f32
    %mul3A_2 = vector.broadcast %mul3A : f32 to vector<1x128xf32>
    %mul3A_3 = arith.mulf %get3A_1, %mul3A_2 : vector<1x128xf32>
    %get3A_4 = arith.constant 0 : index
    %get3A_5 = arith.constant 0 : index
    %get3A_6 = vector.load %arg3[%get3A_4, %get3A_5] : memref<1x128xf32, #tpu.memory_space<vmem>>, vector<1x128xf32>
    %mul3A_7 = arith.constant 9.99999974E-5 : f32
    %mul3A_8 = vector.broadcast %mul3A_7 : f32 to vector<1x128xf32>
    %mul3A_9 = arith.mulf %get3A_6, %mul3A_8 : vector<1x128xf32>
    %mul3A_10 = arith.mulf %mul3A_3, %mul3A_3 : vector<1x128xf32>
    %sub3A = arith.subf %mul3A_9, %mul3A_10 : vector<1x128xf32>
    %get3A_11 = arith.constant 0 : index
    %get3A_12 = arith.constant 0 : index
    %get3A_13 = vector.load %arg4[%get3A_11, %get3A_12] : memref<1x128xf32, #tpu.memory_space<vmem>>, vector<1x128xf32>
    %add3A = arith.constant 9.99999974E-6 : f32
    %add3A_14 = vector.broadcast %add3A : f32 to vector<1x128xf32>
    %add3A_15 = arith.addf %sub3A, %add3A_14 : vector<1x128xf32>
    %rsqrt3A = math.rsqrt %add3A_15 : vector<1x128xf32>
    %mul3A_16 = arith.mulf %get3A_13, %rsqrt3A : vector<1x128xf32>
    %get3A_17 = arith.constant 0 : index
    %get3A_18 = arith.constant 0 : index
    %get3A_19 = vector.load %arg5[%get3A_17, %get3A_18] : memref<1x128xf32, #tpu.memory_space<vmem>>, vector<1x128xf32>
    %mul3A_20 = arith.mulf %mul3A_3, %mul3A_16 : vector<1x128xf32>
    %sub3A_21 = arith.subf %get3A_19, %mul3A_20 : vector<1x128xf32>
    %get3A_22 = arith.constant 0 : index
    %get3A_23 = arith.constant 0 : index
    %get3A_24 = vector.load %arg1[%get3A_22, %get3A_23] : memref<1000x128xf32, #tpu.memory_space<vmem>>, vector<1000x128xf32>
    %mul3A_25 = vector.broadcast %mul3A_16 : vector<1x128xf32> to vector<1000x128xf32>
    %mul3A_26 = arith.mulf %get3A_24, %mul3A_25 : vector<1000x128xf32>
    %add3A_27 = vector.broadcast %sub3A_21 : vector<1x128xf32> to vector<1000x128xf32>
    %add3A_28 = arith.addf %mul3A_26, %add3A_27 : vector<1000x128xf32>
    %max3A = arith.constant 0.000000e+00 : f32
    %max3A_29 = vector.broadcast %max3A : f32 to vector<1000x128xf32>
    %max3A_30 = arith.maximumf %add3A_28, %max3A_29 : vector<1000x128xf32>
    %swap3A = arith.constant 0 : index
    %swap3A_31 = arith.constant 0 : index
    %swap3A_32 = vector.load %arg6[%swap3A, %swap3A_31] : memref<1000x128xf32, #tpu.memory_space<vmem>>, vector<1000x128xf32>
    tpu.vector_store %arg6[%swap3A, %swap3A_31], %max3A_30 {strides = array<i32>} : memref<1000x128xf32, #tpu.memory_space<vmem>>, vector<1000x128xf32>,
    %eq3A = arith.constant 0 : i32
    %eq3A_33 = arith.cmpi eq, %arg0, %eq3A : i32
    %convert_element_type3A = arith.extui %eq3A_33 : i1 to i32
    %cond3A = arith.constant 0 : i32
    %cond3A_34 = arith.cmpi ne, %convert_element_type3A, %cond3A : i32
    scf.if %cond3A_34 {
      %broadcast_in_dim3A_54 = arith.constant 0.000000e+00 : f32
      %broadcast_in_dim3A_55 = vector.broadcast %broadcast_in_dim3A_54 : f32 to vector<1x128xf32>
      %swap3A_56 = arith.constant 0 : index
      %swap3A_57 = arith.constant 0 : index
      %swap3A_58 = vector.load %arg7[%swap3A_56, %swap3A_57] : memref<1x128xf32, #tpu.memory_space<vmem>>, vector<1x128xf32>
      tpu.vector_store %arg7[%swap3A_56, %swap3A_57], %broadcast_in_dim3A_55 {strides = array<i32>} : memref<1x128xf32, #tpu.memory_space<vmem>>, vector<1x128xf32>,
      %broadcast_in_dim3A_59 = arith.constant 0.000000e+00 : f32
      %broadcast_in_dim3A_60 = vector.broadcast %broadcast_in_dim3A_59 : f32 to vector<1x128xf32>
      %swap3A_61 = arith.constant 0 : index
      %swap3A_62 = arith.constant 0 : index
      %swap3A_63 = vector.load %arg8[%swap3A_61, %swap3A_62] : memref<1x128xf32, #tpu.memory_space<vmem>>, vector<1x128xf32>
      tpu.vector_store %arg8[%swap3A_61, %swap3A_62], %broadcast_in_dim3A_60 {strides = array<i32>} : memref<1x128xf32, #tpu.memory_space<vmem>>, vector<1x128xf32>,
    } else {
    }
    %get3A_35 = arith.constant 0 : index
    %get3A_36 = arith.constant 0 : index
    %get3A_37 = vector.load %arg7[%get3A_35, %get3A_36] : memref<1x128xf32, #tpu.memory_space<vmem>>, vector<1x128xf32>
    %reduce_sum3A = arith.constant dense<0.000000e+00> : vector<128xf32>
    %reduce_sum3A_38 = vector.multi_reduction <add>, %max3A_30, %reduce_sum3A [0] : vector<1000x128xf32> to vector<128xf32>
    %broadcast_in_dim3A = vector.shape_cast %reduce_sum3A_38 : vector<128xf32> to vector<1x128xf32>
    %add3A_39 = arith.addf %get3A_37, %broadcast_in_dim3A : vector<1x128xf32>
    %swap3A_40 = arith.constant 0 : index
    %swap3A_41 = arith.constant 0 : index
    %swap3A_42 = vector.load %arg7[%swap3A_40, %swap3A_41] : memref<1x128xf32, #tpu.memory_space<vmem>>, vector<1x128xf32>
    tpu.vector_store %arg7[%swap3A_40, %swap3A_41], %add3A_39 {strides = array<i32>} : memref<1x128xf32, #tpu.memory_space<vmem>>, vector<1x128xf32>,
    %get3A_43 = arith.constant 0 : index
    %get3A_44 = arith.constant 0 : index
    %get3A_45 = vector.load %arg8[%get3A_43, %get3A_44] : memref<1x128xf32, #tpu.memory_space<vmem>>, vector<1x128xf32>
    %mul3A_46 = arith.mulf %max3A_30, %max3A_30 : vector<1000x128xf32>
    %reduce_sum3A_47 = arith.constant dense<0.000000e+00> : vector<128xf32>
    %reduce_sum3A_48 = vector.multi_reduction <add>, %mul3A_46, %reduce_sum3A_47 [0] : vector<1000x128xf32> to vector<128xf32>
    %broadcast_in_dim3A_49 = vector.shape_cast %reduce_sum3A_48 : vector<128xf32> to vector<1x128xf32>
    %add3A_50 = arith.addf %get3A_45, %broadcast_in_dim3A_49 : vector<1x128xf32>
    %swap3A_51 = arith.constant 0 : index
    %swap3A_52 = arith.constant 0 : index
    %swap3A_53 = vector.load %arg8[%swap3A_51, %swap3A_52] : memref<1x128xf32, #tpu.memory_space<vmem>>, vector<1x128xf32>
    tpu.vector_store %arg8[%swap3A_51, %swap3A_52], %add3A_50 {strides = array<i32>} : memref<1x128xf32, #tpu.memory_space<vmem>>, vector<1x128xf32>,
    return
  }
  func.func @transform_0(%arg0: i32) -> (i32, i32) {
    %c0_i32 = arith.constant 0 : i32
    %c0_i32_0 = arith.constant 0 : i32
    return %arg0, %c0_i32 : i32, i32
  }
  func.func @transform_1(%arg0: i32) -> (i32, i32) {
    %c0_i32 = arith.constant 0 : i32
    %c0_i32_0 = arith.constant 0 : i32
    %c0_i32_1 = arith.constant 0 : i32
    return %c0_i32, %c0_i32_0 : i32, i32
  }
  func.func @transform_2(%arg0: i32) -> (i32, i32) {
    %c0_i32 = arith.constant 0 : i32
    %c0_i32_0 = arith.constant 0 : i32
    %c0_i32_1 = arith.constant 0 : i32
    return %c0_i32, %c0_i32_0 : i32, i32
  }
  func.func @transform_3(%arg0: i32) -> (i32, i32) {
    %c0_i32 = arith.constant 0 : i32
    %c0_i32_0 = arith.constant 0 : i32
    %c0_i32_1 = arith.constant 0 : i32
    return %c0_i32, %c0_i32_0 : i32, i32
  }
  func.func @transform_4(%arg0: i32) -> (i32, i32) {
    %c0_i32 = arith.constant 0 : i32
    %c0_i32_0 = arith.constant 0 : i32
    %c0_i32_1 = arith.constant 0 : i32
    return %c0_i32, %c0_i32_0 : i32, i32
  }
  func.func @transform_5(%arg0: i32) -> (i32, i32) {
    %c0_i32 = arith.constant 0 : i32
    %c0_i32_0 = arith.constant 0 : i32
    return %arg0, %c0_i32 : i32, i32
  }
  func.func @transform_6(%arg0: i32) -> (i32, i32) {
    %c0_i32 = arith.constant 0 : i32
    %c0_i32_0 = arith.constant 0 : i32
    %c0_i32_1 = arith.constant 0 : i32
    return %c0_i32, %c0_i32_0 : i32, i32
  }
  func.func @transform_7(%arg0: i32) -> (i32, i32) {
    %c0_i32 = arith.constant 0 : i32
    %c0_i32_0 = arith.constant 0 : i32
    %c0_i32_1 = arith.constant 0 : i32
    return %c0_i32, %c0_i32_0 : i32, i32
  }
}

module attributes {stable_mosaic.version = 14 : i64} {
  func.func @_k6_body(%arg0: i32, %arg1: memref<1000x128xf32, #tpu.memory_space<vmem>>, %arg2: memref<1x128xf32, #tpu.memory_space<vmem>>, %arg3: memref<1x128xf32, #tpu.memory_space<vmem>>, %arg4: memref<1x128xf32, #tpu.memory_space<vmem>>, %arg5: memref<1x128xf32, #tpu.memory_space<vmem>>, %arg6: memref<128x128xf32, #tpu.memory_space<vmem>>, %arg7: memref<1x128xf32, #tpu.memory_space<vmem>>, %arg8: memref<1000x128xf32, #tpu.memory_space<vmem>>) attributes {dimension_semantics = [#tpu.dimension_semantics<arbitrary>], iteration_bounds = array<i64: 10>, scalar_prefetch = 0 : i64, scratch_operands = 0 : i64, tpu.core_type = #tpu.core_type<tc>, window_params = [{transform_indices = @transform_0, window_bounds = array<i64: 1000, 128>}, {pipeline_mode = #tpu.pipeline_mode<synchronous>, transform_indices = @transform_1, window_bounds = array<i64: 1, 128>}, {pipeline_mode = #tpu.pipeline_mode<synchronous>, transform_indices = @transform_2, window_bounds = array<i64: 1, 128>}, {pipeline_mode = #tpu.pipeline_mode<synchronous>, transform_indices = @transform_3, window_bounds = array<i64: 1, 128>}, {pipeline_mode = #tpu.pipeline_mode<synchronous>, transform_indices = @transform_4, window_bounds = array<i64: 1, 128>}, {pipeline_mode = #tpu.pipeline_mode<synchronous>, transform_indices = @transform_5, window_bounds = array<i64: 128, 128>}, {pipeline_mode = #tpu.pipeline_mode<synchronous>, transform_indices = @transform_6, window_bounds = array<i64: 1, 128>}, {transform_indices = @transform_7, window_bounds = array<i64: 1000, 128>}]} {
    %get3A = arith.constant 0 : index
    %get3A_0 = arith.constant 0 : index
    %get3A_1 = vector.load %arg2[%get3A, %get3A_0] : memref<1x128xf32, #tpu.memory_space<vmem>>, vector<1x128xf32>
    %mul3A = arith.constant 9.99999974E-5 : f32
    %mul3A_2 = vector.broadcast %mul3A : f32 to vector<1x128xf32>
    %mul3A_3 = arith.mulf %get3A_1, %mul3A_2 : vector<1x128xf32>
    %get3A_4 = arith.constant 0 : index
    %get3A_5 = arith.constant 0 : index
    %get3A_6 = vector.load %arg3[%get3A_4, %get3A_5] : memref<1x128xf32, #tpu.memory_space<vmem>>, vector<1x128xf32>
    %mul3A_7 = arith.constant 9.99999974E-5 : f32
    %mul3A_8 = vector.broadcast %mul3A_7 : f32 to vector<1x128xf32>
    %mul3A_9 = arith.mulf %get3A_6, %mul3A_8 : vector<1x128xf32>
    %mul3A_10 = arith.mulf %mul3A_3, %mul3A_3 : vector<1x128xf32>
    %sub3A = arith.subf %mul3A_9, %mul3A_10 : vector<1x128xf32>
    %get3A_11 = arith.constant 0 : index
    %get3A_12 = arith.constant 0 : index
    %get3A_13 = vector.load %arg4[%get3A_11, %get3A_12] : memref<1x128xf32, #tpu.memory_space<vmem>>, vector<1x128xf32>
    %add3A = arith.constant 9.99999974E-6 : f32
    %add3A_14 = vector.broadcast %add3A : f32 to vector<1x128xf32>
    %add3A_15 = arith.addf %sub3A, %add3A_14 : vector<1x128xf32>
    %rsqrt3A = math.rsqrt %add3A_15 : vector<1x128xf32>
    %mul3A_16 = arith.mulf %get3A_13, %rsqrt3A : vector<1x128xf32>
    %get3A_17 = arith.constant 0 : index
    %get3A_18 = arith.constant 0 : index
    %get3A_19 = vector.load %arg5[%get3A_17, %get3A_18] : memref<1x128xf32, #tpu.memory_space<vmem>>, vector<1x128xf32>
    %mul3A_20 = arith.mulf %mul3A_3, %mul3A_16 : vector<1x128xf32>
    %sub3A_21 = arith.subf %get3A_19, %mul3A_20 : vector<1x128xf32>
    %get3A_22 = arith.constant 0 : index
    %get3A_23 = arith.constant 0 : index
    %get3A_24 = vector.load %arg1[%get3A_22, %get3A_23] : memref<1000x128xf32, #tpu.memory_space<vmem>>, vector<1000x128xf32>
    %mul3A_25 = vector.broadcast %mul3A_16 : vector<1x128xf32> to vector<1000x128xf32>
    %mul3A_26 = arith.mulf %get3A_24, %mul3A_25 : vector<1000x128xf32>
    %add3A_27 = vector.broadcast %sub3A_21 : vector<1x128xf32> to vector<1000x128xf32>
    %add3A_28 = arith.addf %mul3A_26, %add3A_27 : vector<1000x128xf32>
    %get3A_29 = arith.constant 0 : index
    %get3A_30 = arith.constant 0 : index
    %get3A_31 = vector.load %arg6[%get3A_29, %get3A_30] : memref<128x128xf32, #tpu.memory_space<vmem>>, vector<128x128xf32>
    %dot_general3A = arith.constant dense<0.000000e+00> : vector<1000x128xf32>
    %dot_general3A_32 = tpu.matmul %add3A_28, %get3A_31, %dot_general3A {dimension_numbers = #tpu.dot_dimension_numbers<[1], [0], [0], [1], [0, 0, 1, 1], [], []>, transpose_lhs_hint = false} : vector<1000x128xf32>, vector<128x128xf32>, vector<1000x128xf32> -> vector<1000x128xf32>
    %get3A_33 = arith.constant 0 : index
    %get3A_34 = arith.constant 0 : index
    %get3A_35 = vector.load %arg7[%get3A_33, %get3A_34] : memref<1x128xf32, #tpu.memory_space<vmem>>, vector<1x128xf32>
    %add3A_36 = vector.broadcast %get3A_35 : vector<1x128xf32> to vector<1000x128xf32>
    %add3A_37 = arith.addf %dot_general3A_32, %add3A_36 : vector<1000x128xf32>
    %swap3A = arith.constant 0 : index
    %swap3A_38 = arith.constant 0 : index
    %swap3A_39 = vector.load %arg8[%swap3A, %swap3A_38] : memref<1000x128xf32, #tpu.memory_space<vmem>>, vector<1000x128xf32>
    tpu.vector_store %arg8[%swap3A, %swap3A_38], %add3A_37 {strides = array<i32>} : memref<1000x128xf32, #tpu.memory_space<vmem>>, vector<1000x128xf32>,
    return
  }
  func.func @transform_0(%arg0: i32) -> (i32, i32) {
    %c0_i32 = arith.constant 0 : i32
    %c0_i32_0 = arith.constant 0 : i32
    return %arg0, %c0_i32 : i32, i32
  }
  func.func @transform_1(%arg0: i32) -> (i32, i32) {
    %c0_i32 = arith.constant 0 : i32
    %c0_i32_0 = arith.constant 0 : i32
    %c0_i32_1 = arith.constant 0 : i32
    return %c0_i32, %c0_i32_0 : i32, i32
  }
  func.func @transform_2(%arg0: i32) -> (i32, i32) {
    %c0_i32 = arith.constant 0 : i32
    %c0_i32_0 = arith.constant 0 : i32
    %c0_i32_1 = arith.constant 0 : i32
    return %c0_i32, %c0_i32_0 : i32, i32
  }
  func.func @transform_3(%arg0: i32) -> (i32, i32) {
    %c0_i32 = arith.constant 0 : i32
    %c0_i32_0 = arith.constant 0 : i32
    %c0_i32_1 = arith.constant 0 : i32
    return %c0_i32, %c0_i32_0 : i32, i32
  }
  func.func @transform_4(%arg0: i32) -> (i32, i32) {
    %c0_i32 = arith.constant 0 : i32
    %c0_i32_0 = arith.constant 0 : i32
    %c0_i32_1 = arith.constant 0 : i32
    return %c0_i32, %c0_i32_0 : i32, i32
  }
  func.func @transform_5(%arg0: i32) -> (i32, i32) {
    %c0_i32 = arith.constant 0 : i32
    %c0_i32_0 = arith.constant 0 : i32
    %c0_i32_1 = arith.constant 0 : i32
    return %c0_i32, %c0_i32_0 : i32, i32
  }
  func.func @transform_6(%arg0: i32) -> (i32, i32) {
    %c0_i32 = arith.constant 0 : i32
    %c0_i32_0 = arith.constant 0 : i32
    %c0_i32_1 = arith.constant 0 : i32
    return %c0_i32, %c0_i32_0 : i32, i32
  }
  func.func @transform_7(%arg0: i32) -> (i32, i32) {
    %c0_i32 = arith.constant 0 : i32
    %c0_i32_0 = arith.constant 0 : i32
    return %arg0, %c0_i32 : i32, i32
  }
}

</mosaic_0001>

<sc_bundles>
// kernel: kernel.9.cloned.1.call-start
scs
__scs_entry_jumppad:
0x0: {  	(pc) =	sbr.rel $0x88, $3  }
0x1: {  	(tag) =	ssettag $0x0;
	lr =	simm.s32 $0x1  }
0x2: {  	[smem:$0x3F81] =	sst lr;
	_ =	strace $0xD0000000  }
0x3: {  	_ = 	snop  }
0x4: {  	_ = 	snop  }
0x5: {  	_ = 	snop  }
0x6: {  	_ = 	snop  }
0x7: {  	_ = 	snop  }
__scs_overlays_trampoline_lowered:
0x8: {  	[smem:$0x3F90] =	sst s0  }
0x9: {  	[smem:$0x3F91] =	sst s1  }
0xa: {  	[smem:$0x3F92] =	sst s2  }
0xb: {  	[smem:$0x3F93] =	sst s3  }
0xc: {  	[smem:$0x3F94] =	sst s4  }
0xd: {  	[smem:$0x3F95] =	sst s5  }
0xe: {  	[smem:$0x3F96] =	sst s6  }
0xf: {  	[smem:$0x3F97] =	sst s7  }
0x10: {  	[smem:$0x3F98] =	sst s8  }
0x11: {  	[smem:$0x3F99] =	sst s9;
	s0 =	simm.s32 @!p0 $0x0  }
0x12: {  	s1 =	sld [smem:$0x3F7F];
	s0 =	simm.s32 @p0 $0x1  }
0x13: {  	[smem:$0x3F9A] =	sst s0;
	s0 =	simm.s32 @!p1 $0x0  }
0x14: {  	s2 =	sld [smem:$0x3F7E];
	s0 =	simm.s32 @p1 $0x1  }
0x15: {  	[smem:$0x3F9B] =	sst s0;
	s0 =	simm.s32 @!p2 $0x0  }
0x16: {  	s3 =	sld [smem:$0x3FDB];
	s0 =	simm.s32 @p2 $0x1  }
0x17: {  	s4 =	simm.s32 $0x1BF5;
	[smem:$0x3F9D] =	sst s0  }
0x18: {  	s0 =	sld [smem:$0x3F80];
	_ =	swait.ge [sflag:s4], $0x0  }
0x19: {  	s7 =	sld [smem:$0x3F81]  }
0x1a: {  	s8 =	sadd.s32 $0xFFFFE003, lr  }
0x1b: {  	s9 =	sadd.s32 $0xFFFFFEF7, lr;
	s5 =	simm.s32 $0xFFFFFFFF;
	p2 =	slt.u32 s8, $0xFFFFF086  }
0x1c: {  	p1 =	slt.u32 s9, $0xF7A;
	s5 =	simm.s32 @!p2 $0x0  }
0x1d: {  	s5 =	simm.s32 @p1 $0x1;
	p0 =	seq.s32 s7, s2  }
0x1e: {  	s7 =	smul.u32 @!p0 $0xF7A, s2;
	p2 =	seq.s32 @!p0 s5, $0x0  }
0x1f: {  	s9 =	smul.u32 $0xF7A, s1;
	s8 =	simm.s32 @!p0 $0x1BF5;
	p2 =	por !p2, p0  }
0x20: {  	[sflag:s8] =	ssyncset.s32 @!p0 $0xFFFFF086;
	s6 =	sadd.s32 @!p0 s3, s7;
	s7 =	simm.s32 @!p0 $0x108  }
0x21: {  	s3 =	sadd.s32 s3, s9;
	s6 =	sadd.s32 @!p0 $0x88, s6;
	s7 =	simm.s32 @p2 $0x1082  }
0x22: {  	[simem:s7], [sflag:s8] =	dma.local @!p0 [hbm:s6], $0xF7A  }
0x23: {  	s9 =	sor.u32 $0xD0000000, s2;
	s6 =	simm.s32 $0x108;
	_ =	swait.ge @!p0 [sflag:s8], $0x0  }
0x24: {  	s3 =	sadd.s32 $0x88, s3;
	s6 =	simm.s32 @!p1 $0x1082;
	[sflag:s4] =	ssyncset.s32 $0xFFFFF086  }
0x25: {  	[simem:s6], [sflag:s4] =	dma.local [hbm:s3], $0xF7A  }
0x26: {  	[smem:$0x3F81] =	sst s1;
	(tag) =	ssettag s2;
	_ =	strace s9  }
0x27: {  	s1 =	sld [smem:$0x3F91]  }
0x28: {  	s2 =	sld [smem:$0x3F92]  }
0x29: {  	s4 =	sld [smem:$0x3F94]  }
0x2a: {  	p0 =	seq.s32 s5, $0x0;
	s5 =	sld [smem:$0x3F95]  }
0x2b: {  	s6 =	sld [smem:$0x3F96]  }
0x2c: {  	s7 =	sld [smem:$0x3F97]  }
0x2d: {  	s3 =	simm.s32 $0x108;
	s8 =	sld [smem:$0x3F98]  }
0x2e: {  	s3 =	simm.s32 @!p0 $0x1082;
	s9 =	sld [smem:$0x3F99]  }
0x2f: {  	lr =	sadd.s32 s0, s3;
	s0 =	sld [smem:$0x3F90]  }
0x30: {  	s3 =	sld [smem:$0x3F93]  }
0x31: {  	[smem:$0x3F9C] =	sst s10  }
0x32: {  	s10 =	sld [smem:$0x3F9A];
	_ =	sdelay $0x3  }
0x33: {  	p0 =	seq.s32 s10, $0x1;
	s10 =	sld [smem:$0x3F9C];
	_ =	sdelay $0x3  }
0x34: {  	[smem:$0x3F9C] =	sst s10  }
0x35: {  	s10 =	sld [smem:$0x3F9B];
	_ =	sdelay $0x3  }
0x36: {  	p1 =	seq.s32 s10, $0x1;
	s10 =	sld [smem:$0x3F9C];
	_ =	sdelay $0x3  }
0x37: {  	[smem:$0x3F9C] =	sst s10  }
0x38: {  	s10 =	sld [smem:$0x3F9D]  }
0x39: {  	_ = 	snop;
	(pc) =	sbr.ind lr, $3  }
0x3a: {  	_ = 	snop  }
0x3b: {  	_ = 	snop  }
0x3c: {  	p2 =	seq.s32 s10, $0x1;
	s10 =	sld [smem:$0x3F9C]  }
0x3d: {  	_ =	shalt  }
0x3e: {  	_ =	shalt  }
0x3f: {  	_ =	shalt  }
0x40: {  	_ =	shalt  }
0x41: {  	_ =	shalt  }
0x42: {  	_ =	shalt  }
0x43: {  	_ =	shalt  }
0x44: {  	_ =	shalt  }
0x45: {  	_ =	shalt  }
0x46: {  	_ =	shalt  }
0x47: {  	_ =	shalt  }
0x48: {  	_ =	shalt  }
0x49: {  	_ =	shalt  }
0x4a: {  	_ =	shalt  }
0x4b: {  	_ =	shalt  }
0x4c: {  	_ =	shalt  }
0x4d: {  	_ =	shalt  }
0x4e: {  	_ =	shalt  }
0x4f: {  	_ =	shalt  }
0x50: {  	_ =	shalt  }
0x51: {  	_ =	shalt  }
0x52: {  	_ =	shalt  }
0x53: {  	_ =	shalt  }
0x54: {  	_ =	shalt  }
0x55: {  	_ =	shalt  }
0x56: {  	_ =	shalt  }
0x57: {  	_ =	shalt  }
0x58: {  	_ =	shalt  }
0x59: {  	_ =	shalt  }
0x5a: {  	_ =	shalt  }
0x5b: {  	_ =	shalt  }
0x5c: {  	_ =	shalt  }
0x5d: {  	_ =	shalt  }
0x5e: {  	_ =	shalt  }
0x5f: {  	_ =	shalt  }
0x60: {  	_ =	shalt  }
0x61: {  	_ =	shalt  }
0x62: {  	_ =	shalt  }
0x63: {  	_ =	shalt  }
0x64: {  	_ =	shalt  }
0x65: {  	_ =	shalt  }
0x66: {  	_ =	shalt  }
0x67: {  	_ =	shalt  }
0x68: {  	_ =	shalt  }
0x69: {  	_ =	shalt  }
0x6a: {  	_ =	shalt  }
0x6b: {  	_ =	shalt  }
0x6c: {  	_ =	shalt  }
0x6d: {  	_ =	shalt  }
0x6e: {  	_ =	shalt  }
0x6f: {  	_ =	shalt  }
0x70: {  	_ =	shalt  }
0x71: {  	_ =	shalt  }
0x72: {  	_ =	shalt  }
0x73: {  	_ =	shalt  }
0x74: {  	_ =	shalt  }
0x75: {  	_ =	shalt  }
0x76: {  	_ =	shalt  }
0x77: {  	_ =	shalt  }
0x78: {  	_ =	shalt  }
0x79: {  	_ =	shalt  }
0x7a: {  	_ =	shalt  }
0x7b: {  	_ =	shalt  }
0x7c: {  	_ =	shalt  }
0x7d: {  	_ =	shalt  }
0x7e: {  	_ =	shalt  }
0x7f: {  	_ =	shalt  }
0x80: {  	_ =	shalt  }
0x81: {  	_ =	shalt  }
0x82: {  	_ =	shalt  }
0x83: {  	_ =	shalt  }
0x84: {  	_ =	shalt  }
0x85: {  	_ =	shalt  }
0x86: {  	_ =	shalt  }
0x87: {  	_ =	shalt  }
.Lfunc_end0:
.L_simem_size_0:
called_computation_lowered:
.L_overlay_start_0:
0x88: {  	s2 =	sld [smem:$0x3FD9]  }
0x89: {  	s3 =	sld [smem:$0x3FFE];
	_ =	sdelay $0x1  }
0x8a: {  	s1 =	srdreg.scid  }
0x8b: {  	s0 =	sand.u32 $0x1, s1  }
0x8c: {  	s17 =	sshll.u32 s0, $0xA;
	s2 =	sadd.s32 s3, s2  }
0x8d: {  	s2 =	sadd.s32 s2, s17  }
0x8e: {  	[smem:$0x3FA8] =	sst s2  }
0x8f: {  	_ = 	snop  }
0x90: {  	s2 =	sld [smem:$0x3FC8];
	(tm) =	ssettm $0x1  }
0x91: {  	s18 =	sld [smem:$0x3FFB];
	_ =	sdelay $0x3  }
0x92: {  	_ =	strace s18  }
0x93: {  	s3 =	sld [smem:$0x3FFC];
	_ =	sdelay $0x3  }
0x94: {  	_ =	strace s3  }
0x95: {  	s3 =	sld [smem:$0x3FFD];
	_ =	sdelay $0x3  }
0x96: {  	_ =	strace s3  }
0x97: {  	_ =	strace $0x8FFFFFFF  }
0x98: {  	s19 =	sld [smem:$0x3FDB];
	_ =	sdelay $0x1  }
0x99: {  	s4 =	simm.s32 $_scs_section_size  }
0x9a: {  	s5 =	simm.s32 $_size__tile_overlayer_lowered;
	s6 =	simm.s32 $_tile_overlayer_lowered  }
0x9b: {  	s22 =	simm.s32 $0x1BFF;
	s21 =	sshll.u32 s6, $0x1;
	s3 =	sadd.s32 s4, s19  }
0x9c: {  	s7 =	simm.s32 $0x0;
	s20 =	sshll.u32 s5, $0x1;
	s5 =	sadd.s32 s21, s3  }
0x9d: {  	[timem:s7], [sflag:s22] =	dma.local [hbm:s5], s20  }
0x9e: {  	_ =	swait.ge [sflag:s22], s20  }
0x9f: {  	s4 =	ssub.s32 $0x0, s20;
	[sflag:s22] =	ssyncset.done $0x0  }
0xa0: {  	[sflag:s22] =	ssyncadd.s32 s4;
	_ =	sdelay $0x1  }
0xa1: {  	s23 =	simm.s32 $0x1B8B  }
0xa2: {  	_ =	swait.ge [sflag:s23], $0x1  }
0xa3: {  	[sflag:s23] =	ssyncset.done $0x0  }
0xa4: {  	s25 =	simm.s32 $0x1B8E;
	s24 =	sld [smem:$0x3FFE];
	[sflag:s23] =	ssyncadd.s32 $0xFFFFFFFF  }
0xa5: {  	s26 =	simm.s32 $execute0_lowered;
	[smem:$0x3FD2] =	sst s25  }
0xa6: {  	s5 =	sshll.u32 s26, $0x1;
	_ =	strace $0x80000046;
	[dreg:$0x1] =	wrdreg $0xFFFFFFFF  }
0xa7: {  	s28 =	simm.s32 $_size_execute0_lowered;
	s3 =	sadd.s32 s3, s5;
	[dreg:$0x0] =	wrdreg $0x0  }
0xa8: {  	s5 =	sshll.u32 s28, $0x1;
	[dreg:$0x2] =	wrdreg s3  }
0xa9: {  	[dreg:$0x3] =	wrdreg s5  }
0xaa: {  	[dreg:$0x4] =	wrdreg $0xC0  }
0xab: {  	_ =	task [dreg:s7], $0x5FFFF  }
0xac: {  	[dreg:$0x1] =	wrdreg $0xFFFFFFFF  }
0xad: {  	[dreg:$0x0] =	wrdreg $0x60  }
0xae: {  	[dreg:$0x2] =	wrdreg s24  }
0xaf: {  	[dreg:$0x3] =	wrdreg s2  }
0xb0: {  	[dreg:$0x4] =	wrdreg $0x41000  }
0xb1: {  	[dreg:$0x5] =	wrdreg $0x9  }
0xb2: {  	_ =	task.clear_ibuf [dreg:s7], $0x6FFFF;
	_ =	strace $0x90000046  }
0xb3: {  	s29 =	simm.s32 $0x9;
	_ =	strace $0x80000048  }
0xb4: {  	_ =	swait.ge [sflag:s29], $0x1  }
0xb5: {  	[sflag:s29] =	ssyncadd.s32 $0xFFFFFFFF  }
0xb6: {  	_ =	strace $0x90000048  }
0xb7: {  	_ =	sfence  }
0xb8: {  	s30 =	sld [smem:$0x0];
	_ =	sdelay $0x2  }
0xb9: {  	s31 =	sshll.u32 s1, $0xD;
	s1 =	sshrl.u32 s1, $0x2  }
0xba: {  	s3 =	sand.u32 $0x4000, s31;
	s1 =	sadd.s32 s1, s30  }
0xbb: {  	s0 =	sor.u32 s3, s0;
	s1 =	sshll.u32 s1, $0x11  }
0xbc: {  	s0 =	sor.u32 s1, s0  }
0xbd: {  	s0 =	sadd.s32 $0x8F2B, s0  }
0xbe: {  	[sflag:s0] =	ssyncadd.remote.s32 $0x1  }
0xbf: {  	_ =	sfence.sel $0xFFFF  }
0xc0: {  	[dreg:$0x0] =	wrdreg $0xFFFFFFFF;
	(pc) =	sbr.abs _section_cstart, $3  }
0xc1: {  	[dreg:$0x1] =	wrdreg $0xFFFFFFFF  }
0xc2: {  	_ =	task.clear_ibuf [dreg:s7], $0x2FFFF;
	_ =	strace $0x9FFFFFFF  }
0xc3: {  	(tm) =	ssettm $0x7FFFFFFF  }
tec
execute0_lowered:
.L_overlay_start_1:
0x0: {  	(tag) =	ssettag $0x1  }
0x1: {  	s5 =	rddreg [dreg:$0x0]  }
0x2: {  	s9 =	rddreg [dreg:$0x1]  }
0x3: {  	s1 =	rddreg [dreg:$0x2]  }
0x4: {  	s0 =	rddreg [dreg:$0x3]  }
0x5: {  	s2 =	simm.s32 $0x0;
	s4 =	srdreg.scid;
	s12 =	stileid.u32  }
0x6: {  	s14 =	simm.s32 $0x1;
	s16 =	simm.s32 $0x0;
	[smem:$0x7FF] =	sst s2  }
0x7: {  	s3 =	sadd.s32 $0x4E00, s5;
	s7 =	sand.u32 $0x1, s4;
	s4 =	sadd.s32 $0x2C000, s5  }
0x8: {  	s10 =	sshll.u32 s12, $0x6;
	s30 =	smul.u32 $0x1380, s12;
	p0 =	sne.s32 s12, $0x0  }
0x9: {  	p1 =	slt.u32 s12, $0x2;
	_ =	strace $0x80000047;
	s6 =	smul.u32 $0x27100, s7  }
0xa: {  	s8 =	ssub.s32 $0x2, s7;
	s11 =	sshll.u32 s7, $0x5;
	s31 =	smul.u32 $0x9C0, s7  }
0xb: {  	p2 =	sne.s32 @p1 s12, $0x0;
	s12 =	simm.s32 $0x80;
	s28 =	sshrl.u32 s8, $0x1  }
0xc: {  	s29 =	sor.u32 s11, s10;
	s10 =	sshrl.u32 @!p0 s1, $0x3;
	s11 =	simm.s32 $0x2  }
0xd: {  	p2 =	por p2, !p1;
	s13 =	sadd.s32 s6, s5;
	s8 =	ssub.s32 s8, s28  }
0xe: {  	s6 =	sadd.s32 s29, s9;
	s9 =	sadd.s32 s30, s9;
	s15 =	sshrl.u32 @!p2 s1, $0x3  }
0xf: {  	s5 =	sadd.s32 $0x13800, s6;
	s6 =	sadd.s32 $0x13810, s6;
	s7 =	sadd.s32 $0x53200, s13  }
0x10: {  	s8 =	smax.u32 s8, $0x1;
	s9 =	sadd.s32 s31, s9;
	s13 =	simm.s32 $0x100  }
.LBB2_1:
0x11: {  	s17 =	simm.s32 @!p0 $0x1C02  }
0x12: {  	[spmem:s10], [sflag:s17] =	dma.local @!p0 [hbm:s4], $0x27100  }
0x13: {  	s17 =	simm.s32 @!p0 $0x2  }
0x14: {  	_ =	swait.ge @!p0 [sflag:s17], $0x27100  }
0x15: {  	[sflag:s17] =	ssyncset.done @!p0 $0x0  }
0x16: {  	[sflag:s17] =	ssyncadd.s32 @!p0 $0xFFFD8F00  }
0x17: {  	s31 =	sadd.s32 $0x0, s9;
	[bflag:$0x0] =	sbarrier.arrive $0xFFFF  }
0x18: {  	[tilespmem:s2], [sflag:$0x2] =	stream.linear.gather [hbm4b:s31+s2], $0x80, $0x38;
	[tilespmem:$0x17980] =	vst v63  }
0x19: {  	_ =	swait.ge [sflag:s11], $0x80  }
0x1a: {  	[sflag:s11] =	ssyncset.done $0x0  }
0x1b: {  	s17 =	sadd.s32 $0x10, s31;
	[sflag:s11] =	ssyncadd.s32 $0xFFFFFF80  }
0x1c: {  	[tilespmem:s12], [sflag:$0x2] =	stream.linear.gather [hbm4b:s17+s2], $0x80, $0x38;
	[tilespmem:$0x17980] =	vst v63  }
0x1d: {  	_ =	swait.ge [sflag:s11], $0x80  }
0x1e: {  	[sflag:s11] =	ssyncset.done $0x0  }
0x1f: {  	[sflag:s11] =	ssyncadd.s32 $0xFFFFFF80  }
0x20: {  	[tilespmem:s13], [sflag:$0x1] =	stream.indirect.gather [hbm4b:s3+s12], $0x80, s2, s12, $0xb8;
	[tilespmem:$0x17980] =	vst v63  }
0x21: {  	_ =	swait.ge [sflag:s14], $0x4000  }
0x22: {  	[sflag:s14] =	ssyncset.done $0x0  }
0x23: {  	[sflag:s14] =	ssyncadd.s32 $0xFFFFC000  }
0x24: {  	[spmem:s1] =	stream.indirect.scatter.add.f32 [tilespmem:s13], [sflag:$0x2], $0x80, s12, s12, $0xb8;
	[tilespmem:$0x17980] =	vst v63  }
0x25: {  	_ =	swait.ge [sflag:s11], $0x4000  }
0x26: {  	s18 =	simm.s32 $0x40;
	s17 =	simm.s32 $0x20;
	[sflag:s11] =	ssyncset.done $0x0  }
.LBB2_2:
0x27: {  	s19 =	sadd.s32 s17, s9  }
0x28: {  	[sflag:s11] =	ssyncadd.s32 $0xFFFFC000;
	s17 =	smov.u32 s18;
	s20 =	sadd.s32 $0x20, s18  }
0x29: {  	[tilespmem:s2], [sflag:$0x2] =	stream.linear.gather [hbm4b:s19+s2], $0x80, $0x38;
	[tilespmem:$0x17980] =	vst v63  }
0x2a: {  	p3 =	sne.s32 s18, $0x9A0;
	_ =	swait.ge [sflag:s11], $0x80  }
0x2b: {  	[sflag:s11] =	ssyncset.done $0x0  }
0x2c: {  	s18 =	sadd.s32 $0x10, s19;
	[sflag:s11] =	ssyncadd.s32 $0xFFFFFF80  }
0x2d: {  	[tilespmem:s12], [sflag:$0x2] =	stream.linear.gather [hbm4b:s18+s2], $0x80, $0x38;
	[tilespmem:$0x17980] =	vst v63  }
0x2e: {  	_ =	swait.ge [sflag:s11], $0x80  }
0x2f: {  	[sflag:s11] =	ssyncset.done $0x0  }
0x30: {  	[sflag:s11] =	ssyncadd.s32 $0xFFFFFF80  }
0x31: {  	[tilespmem:s13], [sflag:$0x1] =	stream.indirect.gather [hbm4b:s3+s12], $0x80, s2, s12, $0xb8;
	[tilespmem:$0x17980] =	vst v63  }
0x32: {  	_ =	swait.ge [sflag:s14], $0x4000  }
.Ltmp0:
0x33: {  	[sflag:s14] =	ssyncset.done $0x0;
	(pc) =	sbr.rel @p3 .LBB2_2-.Ltmp0, $4  }
0x34: {  	[sflag:s14] =	ssyncadd.s32 $0xFFFFC000  }
0x35: {  	[spmem:s1] =	stream.indirect.scatter.add.f32 [tilespmem:s13], [sflag:$0x2], $0x80, s12, s12, $0xb8;
	[tilespmem:$0x17980] =	vst v63  }
0x36: {  	_ =	swait.ge [sflag:s11], $0x4000  }
0x37: {  	s18 =	smov.u32 s20;
	[sflag:s11] =	ssyncset.done $0x0  }
0x38: {  	s17 =	sadd.s32 s17, s9;
	[sflag:s11] =	ssyncadd.s32 $0xFFFFC000  }
0x39: {  	[tilespmem:s2], [sflag:$0x2] =	stream.linear.gather [hbm4b:s17+s2], $0x80, $0x38;
	[tilespmem:$0x17980] =	vst v63  }
0x3a: {  	_ =	swait.ge [sflag:s11], $0x80  }
0x3b: {  	[sflag:s11] =	ssyncset.done $0x0  }
0x3c: {  	s17 =	sadd.s32 $0x10, s17;
	[sflag:s11] =	ssyncadd.s32 $0xFFFFFF80  }
0x3d: {  	[tilespmem:s12], [sflag:$0x2] =	stream.linear.gather [hbm4b:s17+s2], $0x80, $0x38;
	[tilespmem:$0x17980] =	vst v63  }
0x3e: {  	_ =	swait.ge [sflag:s11], $0x80  }
0x3f: {  	[sflag:s11] =	ssyncset.done $0x0  }
0x40: {  	[sflag:s11] =	ssyncadd.s32 $0xFFFFFF80  }
0x41: {  	[tilespmem:s13], [sflag:$0x1] =	stream.indirect.gather [hbm4b:s3+s12], $0x80, s2, s12, $0xb8;
	[tilespmem:$0x17980] =	vst v63  }
0x42: {  	_ =	swait.ge [sflag:s14], $0x4000  }
0x43: {  	[sflag:s14] =	ssyncset.done $0x0  }
0x44: {  	[sflag:s14] =	ssyncadd.s32 $0xFFFFC000  }
0x45: {  	[spmem:s1] =	stream.indirect.scatter.add.f32 [tilespmem:s13], [sflag:$0x2], $0x80, s12, s12, $0xb8;
	[tilespmem:$0x17980] =	vst v63  }
0x46: {  	_ =	swait.ge [sflag:s11], $0x4000  }
0x47: {  	[sflag:s11] =	ssyncset.done $0x0  }
0x48: {  	s18 =	simm.s32 @p1 $0x2;
	s17 =	simm.s32 @p1 $0x0;
	[sflag:s11] =	ssyncadd.s32 $0xFFFFC000  }
0x49: {  	[tilespmem:s17], [sflag:$0x2] =	stream.linear.gather @p1 [hbm4b:s5+s17], $0x80, $0x38;
	[tilespmem:$0x17980] =	vst v63  }
0x4a: {  	_ =	swait.ge @p1 [sflag:s18], $0x80  }
0x4b: {  	[sflag:s18] =	ssyncset.done @p1 $0x0  }
0x4c: {  	s19 =	simm.s32 @p1 $0x80;
	[sflag:s18] =	ssyncadd.s32 @p1 $0xFFFFFF80  }
0x4d: {  	[tilespmem:s19], [sflag:$0x2] =	stream.linear.gather @p1 [hbm4b:s6+s17], $0x80, $0x38;
	[tilespmem:$0x17980] =	vst v63  }
0x4e: {  	_ =	swait.ge @p1 [sflag:s18], $0x80  }
0x4f: {  	[sflag:s18] =	ssyncset.done @p1 $0x0  }
0x50: {  	s20 =	simm.s32 @p1 $0x100;
	[sflag:s18] =	ssyncadd.s32 @p1 $0xFFFFFF80  }
0x51: {  	[tilespmem:s20], [sflag:$0x1] =	stream.indirect.gather @p1 [hbm4b:s3+s19], $0x80, s17, s19, $0xb8;
	[tilespmem:$0x17980] =	vst v63  }
0x52: {  	s17 =	simm.s32 @p1 $0x1  }
0x53: {  	_ =	swait.ge @p1 [sflag:s17], $0x4000  }
0x54: {  	[sflag:s17] =	ssyncset.done @p1 $0x0  }
0x55: {  	[sflag:s17] =	ssyncadd.s32 @p1 $0xFFFFC000  }
0x56: {  	[spmem:s1] =	stream.indirect.scatter.add.f32 @p1 [tilespmem:s20], [sflag:$0x2], $0x80, s19, s19, $0xb8;
	[tilespmem:$0x17980] =	vst v63  }
0x57: {  	_ =	swait.ge @p1 [sflag:s18], $0x4000  }
0x58: {  	[sflag:s18] =	ssyncset.done @p1 $0x0  }
0x59: {  	[sflag:s18] =	ssyncadd.s32 @p1 $0xFFFFC000  }
0x5a: {  	s16 =	sadd.s32 $0x1, s16;
	s17 =	simm.s32 @!p2 $0x1C02;
	[bflag:$0x0] =	sbarrier.arrive @p1 $0xFFFF  }
0x5b: {  	[hbm:s7], [sflag:s17] =	dma.local @!p2 [spmem:s15], $0x27100  }
0x5c: {  	p3 =	sne.s32 s16, s8;
	s17 =	simm.s32 @!p2 $0x2  }
.Ltmp1:
0x5d: {  	_ =	swait.ge @!p2 [sflag:s17], $0x27100;
	(pc) =	sbr.rel @p3 .LBB2_1-.Ltmp1, $3  }
0x5e: {  	[sflag:s17] =	ssyncset.done @!p2 $0x0  }
0x5f: {  	[sflag:s17] =	ssyncadd.s32 @!p2 $0xFFFD8F00  }
0x60: {  	[bflag:$0x0] =	sbarrier.arrive @!p1 $0xFFFF;
	_ =	sdelay $0x1  }
0x61: {  	_ =	sfence.sel $0x180000  }
0x62: {  	[bflag:$0x0] =	sbarrier.arrive $0xFFFF  }
0x63: {  	_ =	strace $0x90000047  }
0x64: {  	s0 =	sadd.s32 @!p0 $0x100000, s0;
	[bflag:$0x2] =	sbarrier.arrive $0xFFFF  }
0x65: {  	[sflag:s0] =	ssyncadd.tile.s32 @!p0 $0x1;
	_ =	shalt  }
.Lfunc_end2:
_tile_overlayer_lowered:
.L_overlay_start_2:
0x66: {  	(tag) =	ssettag $0x2  }
0x67: {  	s0 =	rddreg [dreg:$0x0];
	s2 =	stileid.u32  }
0x68: {  	s1 =	rddreg [dreg:$0x1];
	p0 =	sne.s32 s2, $0x0  }
0x69: {  	s3 =	rddreg [dreg:$0x2];
	[bflag:$0x3] =	sbarrier.arrive $0xFFFF;
	s2 =	simm.s32 @!p0 $0x1C02  }
0x6a: {  	[timem:s3], [sflag:s2] =	dma.local @!p0 [hbm:s0], s1  }
0x6b: {  	s0 =	simm.s32 @!p0 $0x2  }
0x6c: {  	_ =	swait.ge @!p0 [sflag:s0], s1  }
0x6d: {  	s1 =	ssub.s32 @!p0 $0x0, s1;
	[sflag:s0] =	ssyncset.done @!p0 $0x0  }
0x6e: {  	[sflag:s0] =	ssyncadd.s32 @!p0 s1  }
0x6f: {  	[bflag:$0x3] =	sbarrier.arrive $0xFFFF  }
0x70: {  	_ =	shalt  }

</sc_bundles>
